<compile_context>
chip_gen: v7x
topology: tpu7x:2x2x1
jax: 0.10.2.dev20260603
libtpu: 0.0.44.dev20260713+nightly
codegen_flags: <defaults>
</compile_context>

<pallas_src>
import jax
import jax.numpy as jnp
from jax import lax
from jax.experimental import pallas as pl
from jax.experimental.pallas import tpu as pltpu
from jax.experimental.pallas import tpu_sc as plsc

BATCH = 16384
POOL = 20
EMBED_DIM = 64
NB = 4096
NC, NS, L = 2, 16, 16
NW = NC * NS
COLS_W = BATCH // NW


def _rowsum_body(t0_ref, t1_ref, rs_ref):
    rs_ref[0, :] = jnp.sum(t0_ref[...], axis=0)
    rs_ref[1, :] = jnp.sum(t1_ref[...], axis=0)


_rowsum = pl.pallas_call(
    _rowsum_body,
    grid=(1,),
    out_shape=jax.ShapeDtypeStruct((2, NB), jnp.float32),
    in_specs=[
        pl.BlockSpec((EMBED_DIM, NB), lambda i: (0, 0)),
        pl.BlockSpec((EMBED_DIM, NB), lambda i: (0, 0)),
    ],
    out_specs=pl.BlockSpec((2, NB), lambda i: (0, 0)),
)

_mesh = plsc.VectorSubcoreMesh(
    core_axis_name="c", subcore_axis_name="s", num_cores=NC, num_subcores=NS
)

_SC_SCRATCH = [
    pltpu.VMEM((NB,), jnp.float32),
    pltpu.VMEM((NB,), jnp.float32),
    pltpu.VMEM((POOL, COLS_W), jnp.int32),
    pltpu.VMEM((POOL, COLS_W), jnp.int32),
    pltpu.VMEM((L,), jnp.float32),
    pltpu.SemaphoreType.DMA,
    pltpu.SemaphoreType.DMA,
    pltpu.SemaphoreType.DMA,
    pltpu.SemaphoreType.DMA,
]

_NACC = 4


def _sc_gather_sum_body(rs_hbm, it0_hbm, it1_hbm, out_hbm,
                        lut0, lut1, idx0_v, idx1_v, acc_v,
                        sem0, sem1, sem2, sem3):
    wid = lax.axis_index("s") * NC + lax.axis_index("c")
    base = wid * COLS_W
    cp_l0 = pltpu.async_copy(rs_hbm.at[0], lut0, sem0)
    cp_i0 = pltpu.async_copy(it0_hbm.at[:, pl.ds(base, COLS_W)], idx0_v, sem1)
    cp_l1 = pltpu.async_copy(rs_hbm.at[1], lut1, sem2)
    cp_i1 = pltpu.async_copy(it1_hbm.at[:, pl.ds(base, COLS_W)], idx1_v, sem3)

    npc = COLS_W // L
    zeros = tuple(jnp.zeros((L,), jnp.float32) for _ in range(_NACC))

    def table_loop(lut, idx_v, accs):
        def row_body(r, accs):
            accs = list(accs)
            for c in range(npc):
                iv = idx_v[r, pl.ds(c * L, L)]
                accs[c % _NACC] = accs[c % _NACC] + plsc.load_gather(lut, [iv])
            return tuple(accs)
        return lax.fori_loop(0, POOL, row_body, accs)

    cp_l0.wait()
    cp_i0.wait()
    accs = table_loop(lut0, idx0_v, zeros)
    cp_l1.wait()
    cp_i1.wait()
    accs = table_loop(lut1, idx1_v, accs)
    acc_v[...] = (accs[0] + accs[1]) + (accs[2] + accs[3])
    pltpu.sync_copy(acc_v, out_hbm.at[wid])


_sc_gather_sum = pl.kernel(
    _sc_gather_sum_body,
    out_type=jax.ShapeDtypeStruct((NW, L), jnp.float32),
    mesh=_mesh,
    scratch_types=_SC_SCRATCH,
    compiler_params=pltpu.CompilerParams(needs_layout_passes=False),
)


def kernel(indices_0, indices_1, table_0, table_1):
    rs = _rowsum(table_0.T, table_1.T)
    partials = _sc_gather_sum(rs, indices_0.T, indices_1.T)
    return jnp.sum(partials) / jnp.float32(BATCH * 2 * EMBED_DIM)

# --- scband reference (transcript-rebuilt; emitter-appended) ---
"""Pipeline reference for scband-sparse-arch-61057255079950 (READ-ONLY COPY).

The authoritative reference and input builder live on the scoring server;
editing this copy changes nothing except your own understanding.
"""

import jax, jax.numpy as jnp
import numpy as np

BATCH = 16384
POOL = 20
INPUT_HASH_SIZE = 4000
ZCH_SIZE_0 = 100000
ZCH_SIZE_1 = 100000
EMBED_DIM = 64


def setup_inputs(seed: int = 0) -> dict:
    key = jax.random.key(seed)
    k1, k2, k3, k4 = jax.random.split(key, 4)
    indices_0 = jax.random.randint(k1, (BATCH, POOL), 0, INPUT_HASH_SIZE, dtype=jnp.int32)
    indices_1 = jax.random.randint(k2, (BATCH, POOL), 0, INPUT_HASH_SIZE, dtype=jnp.int32)
    table_0 = jax.random.normal(k3, (ZCH_SIZE_0, EMBED_DIM), dtype=jnp.float32)
    table_1 = jax.random.normal(k4, (ZCH_SIZE_1, EMBED_DIM), dtype=jnp.float32)
    return {"indices_0": indices_0, "indices_1": indices_1, "table_0": table_0, "table_1": table_1}


def reference(indices_0, indices_1, table_0, table_1):
    # Managed-collision remap: raw ids (hashed into input_hash_size=4000) are
    # remapped into the zch_size id space of each table. In the steady state
    # the remap is a table lookup; since input_hash_size <= zch_size the
    # identity-modulo remap is the faithful stateless equivalent.
    remapped_0 = jnp.mod(indices_0, table_0.shape[0])
    remapped_1 = jnp.mod(indices_1, table_1.shape[0])
    # EmbeddingBagCollection with sum pooling over the jagged (here: fixed
    # pooling-factor POOL) ids per sample -> [B, D] per feature.
    pooled_0 = jnp.take(table_0, remapped_0, axis=0).sum(axis=1)
    pooled_1 = jnp.take(table_1, remapped_1, axis=0).sum(axis=1)
    pred = jnp.concatenate([pooled_0, pooled_1], axis=1)
    loss = pred.mean()
    return loss

if __name__ == "__main__":
    import jax
    _d = setup_inputs()
    print(jax.jit(kernel)(*tuple(_d.values())))

</pallas_src>

<mosaic_0001>
#map = affine_map<(d0, d1) -> (0, 0)>
module attributes {stable_mosaic.version = 14 : i64} {
  func.func @_sc_gather_sum_body(%arg0: i32, %arg1: i32, %arg2: memref<2x4096xf32, #tpu.memory_space<hbm>>, %arg3: memref<20x16384xi32, #tpu.memory_space<hbm>>, %arg4: memref<20x16384xi32, #tpu.memory_space<hbm>>, %arg5: memref<32x16xf32, #tpu.memory_space<hbm>>, %arg6: memref<4096xf32, #tpu.memory_space<vmem>>, %arg7: memref<4096xf32, #tpu.memory_space<vmem>>, %arg8: memref<20x512xi32, #tpu.memory_space<vmem>>, %arg9: memref<20x512xi32, #tpu.memory_space<vmem>>, %arg10: memref<16xf32, #tpu.memory_space<vmem>>, %arg11: memref<!tpu.dma_semaphore, #tpu.memory_space<semaphore_mem>>, %arg12: memref<!tpu.dma_semaphore, #tpu.memory_space<semaphore_mem>>, %arg13: memref<!tpu.dma_semaphore, #tpu.memory_space<semaphore_mem>>, %arg14: memref<!tpu.dma_semaphore, #tpu.memory_space<semaphore_mem>>) attributes {dimension_semantics = [#tpu.dimension_semantics<core_parallel>, #tpu.dimension_semantics<subcore_parallel>], iteration_bounds = array<i64: 2, 16>, scalar_prefetch = 0 : i64, scratch_operands = 9 : i64, tpu.core_type = #tpu.core_type<sc_vector_subcore>, window_params = [{transform_indices = #map}, {transform_indices = #map}, {transform_indices = #map}, {transform_indices = #map}]} {
    %mul3A = arith.constant 2 : i32
    %mul3A_0 = arith.muli %arg1, %mul3A : i32
    %add3A = arith.addi %mul3A_0, %arg0 : i32
    %mul3A_1 = arith.constant 512 : i32
    %mul3A_2 = arith.muli %add3A, %mul3A_1 : i32
    %dma_start3A = arith.constant 0 : i32
    %dma_start3A_3 = arith.constant 0 : i32
    %dma_start3A_4 = tpu.memref_slice %arg2[%dma_start3A, %dma_start3A_3] : memref<2x4096xf32, #tpu.memory_space<hbm>> -> memref<1x4096xf32, #tpu.memory_space<hbm>>
    %dma_start3A_5 = tpu.memref_squeeze %dma_start3A_4 : memref<1x4096xf32, #tpu.memory_space<hbm>> -> memref<4096xf32, #tpu.memory_space<hbm>>
    %dma_start3A_6 = arith.constant 0 : i32
    %dma_start3A_7 = tpu.memref_slice %arg2[%dma_start3A, %dma_start3A_6] : memref<2x4096xf32, #tpu.memory_space<hbm>> -> memref<1x4096xf32, #tpu.memory_space<hbm>>
    %dma_start3A_8 = tpu.memref_squeeze %dma_start3A_7 : memref<1x4096xf32, #tpu.memory_space<hbm>> -> memref<4096xf32, #tpu.memory_space<hbm>>
    tpu.enqueue_dma source(%dma_start3A_8 : memref<4096xf32, #tpu.memory_space<hbm>>) target(%arg6 : memref<4096xf32, #tpu.memory_space<vmem>>) target_semaphore(%arg11 : memref<!tpu.dma_semaphore, #tpu.memory_space<semaphore_mem>>)
    %dma_start3A_9 = arith.constant 0 : i32
    %dma_start3A_10 = tpu.memref_slice %arg3[%dma_start3A_9, %mul3A_2] : memref<20x16384xi32, #tpu.memory_space<hbm>> -> memref<20x512xi32, #tpu.memory_space<hbm>>
    %dma_start3A_11 = arith.constant 0 : i32
    %dma_start3A_12 = tpu.memref_slice %arg3[%dma_start3A_11, %mul3A_2] : memref<20x16384xi32, #tpu.memory_space<hbm>> -> memref<20x512xi32, #tpu.memory_space<hbm>>
    tpu.enqueue_dma source(%dma_start3A_12 : memref<20x512xi32, #tpu.memory_space<hbm>>) target(%arg8 : memref<20x512xi32, #tpu.memory_space<vmem>>) target_semaphore(%arg12 : memref<!tpu.dma_semaphore, #tpu.memory_space<semaphore_mem>>)
    %dma_start3A_13 = arith.constant 1 : i32
    %dma_start3A_14 = arith.constant 0 : i32
    %dma_start3A_15 = tpu.memref_slice %arg2[%dma_start3A_13, %dma_start3A_14] : memref<2x4096xf32, #tpu.memory_space<hbm>> -> memref<1x4096xf32, #tpu.memory_space<hbm>>
    %dma_start3A_16 = tpu.memref_squeeze %dma_start3A_15 : memref<1x4096xf32, #tpu.memory_space<hbm>> -> memref<4096xf32, #tpu.memory_space<hbm>>
    %dma_start3A_17 = arith.constant 0 : i32
    %dma_start3A_18 = tpu.memref_slice %arg2[%dma_start3A_13, %dma_start3A_17] : memref<2x4096xf32, #tpu.memory_space<hbm>> -> memref<1x4096xf32, #tpu.memory_space<hbm>>
    %dma_start3A_19 = tpu.memref_squeeze %dma_start3A_18 : memref<1x4096xf32, #tpu.memory_space<hbm>> -> memref<4096xf32, #tpu.memory_space<hbm>>
    tpu.enqueue_dma source(%dma_start3A_19 : memref<4096xf32, #tpu.memory_space<hbm>>) target(%arg7 : memref<4096xf32, #tpu.memory_space<vmem>>) target_semaphore(%arg13 : memref<!tpu.dma_semaphore, #tpu.memory_space<semaphore_mem>>)
    %dma_start3A_20 = arith.constant 0 : i32
    %dma_start3A_21 = tpu.memref_slice %arg4[%dma_start3A_20, %mul3A_2] : memref<20x16384xi32, #tpu.memory_space<hbm>> -> memref<20x512xi32, #tpu.memory_space<hbm>>
    %dma_start3A_22 = arith.constant 0 : i32
    %dma_start3A_23 = tpu.memref_slice %arg4[%dma_start3A_22, %mul3A_2] : memref<20x16384xi32, #tpu.memory_space<hbm>> -> memref<20x512xi32, #tpu.memory_space<hbm>>
    tpu.enqueue_dma source(%dma_start3A_23 : memref<20x512xi32, #tpu.memory_space<hbm>>) target(%arg9 : memref<20x512xi32, #tpu.memory_space<vmem>>) target_semaphore(%arg14 : memref<!tpu.dma_semaphore, #tpu.memory_space<semaphore_mem>>)
    %broadcast_in_dim3A = arith.constant 0.000000e+00 : f32
    %broadcast_in_dim3A_24 = vector.broadcast %broadcast_in_dim3A : f32 to vector<16xf32>
    %broadcast_in_dim3A_25 = arith.constant 0.000000e+00 : f32
    %broadcast_in_dim3A_26 = vector.broadcast %broadcast_in_dim3A_25 : f32 to vector<16xf32>
    %broadcast_in_dim3A_27 = arith.constant 0.000000e+00 : f32
    %broadcast_in_dim3A_28 = vector.broadcast %broadcast_in_dim3A_27 : f32 to vector<16xf32>
    %broadcast_in_dim3A_29 = arith.constant 0.000000e+00 : f32
    %broadcast_in_dim3A_30 = vector.broadcast %broadcast_in_dim3A_29 : f32 to vector<16xf32>
    %dma_wait3A = arith.constant 0 : i32
    %dma_wait3A_31 = arith.constant 0 : i32
    %dma_wait3A_32 = tpu.memref_slice %arg2[%dma_wait3A, %dma_wait3A_31] : memref<2x4096xf32, #tpu.memory_space<hbm>> -> memref<1x4096xf32, #tpu.memory_space<hbm>>
    %dma_wait3A_33 = tpu.memref_squeeze %dma_wait3A_32 : memref<1x4096xf32, #tpu.memory_space<hbm>> -> memref<4096xf32, #tpu.memory_space<hbm>>
    %dma_wait3A_34 = arith.constant 0 : i32
    %dma_wait3A_35 = tpu.memref_slice %arg2[%dma_wait3A, %dma_wait3A_34] : memref<2x4096xf32, #tpu.memory_space<hbm>> -> memref<1x4096xf32, #tpu.memory_space<hbm>>
    %dma_wait3A_36 = tpu.memref_squeeze %dma_wait3A_35 : memref<1x4096xf32, #tpu.memory_space<hbm>> -> memref<4096xf32, #tpu.memory_space<hbm>>
    tpu.wait_dma2 semaphore(%arg11 : memref<!tpu.dma_semaphore, #tpu.memory_space<semaphore_mem>>) src(%dma_wait3A_36 : memref<4096xf32, #tpu.memory_space<hbm>>) dst(%arg6 : memref<4096xf32, #tpu.memory_space<vmem>>)
    %dma_wait3A_37 = arith.constant 0 : i32
    %dma_wait3A_38 = tpu.memref_slice %arg3[%dma_wait3A_37, %mul3A_2] : memref<20x16384xi32, #tpu.memory_space<hbm>> -> memref<20x512xi32, #tpu.memory_space<hbm>>
    %dma_wait3A_39 = arith.constant 0 : i32
    %dma_wait3A_40 = tpu.memref_slice %arg3[%dma_wait3A_39, %mul3A_2] : memref<20x16384xi32, #tpu.memory_space<hbm>> -> memref<20x512xi32, #tpu.memory_space<hbm>>
    tpu.wait_dma2 semaphore(%arg12 : memref<!tpu.dma_semaphore, #tpu.memory_space<semaphore_mem>>) src(%dma_wait3A_40 : memref<20x512xi32, #tpu.memory_space<hbm>>) dst(%arg8 : memref<20x512xi32, #tpu.memory_space<vmem>>)
    %scan3A = arith.constant 0 : i32
    %scan3A_41 = arith.constant 20 : i32
    %scan3A_42 = arith.addi %scan3A, %scan3A_41 : i32
    %scan3A_43 = arith.constant 1 : i32
    %scan3A_44:4 = scf.for %scan3A_67 = %scan3A to %scan3A_42 step %scan3A_43 iter_args(%scan3A_68 = %broadcast_in_dim3A_24, %scan3A_69 = %broadcast_in_dim3A_26, %scan3A_70 = %broadcast_in_dim3A_28, %scan3A_71 = %broadcast_in_dim3A_30) -> (vector<16xf32>, vector<16xf32>, vector<16xf32>, vector<16xf32>)  : i32 {
      %get3A = arith.index_cast %scan3A_67 : i32 to index
      %get3A_72 = arith.constant 0 : index
      %get3A_73 = tpu.vector_load %arg8[%get3A, %get3A_72] {strides = array<i32>} : memref<20x512xi32, #tpu.memory_space<vmem>>, vector<16xi32>,
      %gather3A = tpu.vector_load_idx %arg6[%get3A_73] : memref<4096xf32, #tpu.memory_space<vmem>>[vector<16xi32>], vector<16xf32>,
      %add3A_74 = arith.addf %scan3A_68, %gather3A : vector<16xf32>
      %get3A_75 = arith.index_cast %scan3A_67 : i32 to index
      %get3A_76 = arith.constant 16 : index
      %get3A_77 = tpu.vector_load %arg8[%get3A_75, %get3A_76] {strides = array<i32>} : memref<20x512xi32, #tpu.memory_space<vmem>>, vector<16xi32>,
      %gather3A_78 = tpu.vector_load_idx %arg6[%get3A_77] : memref<4096xf32, #tpu.memory_space<vmem>>[vector<16xi32>], vector<16xf32>,
      %add3A_79 = arith.addf %scan3A_69, %gather3A_78 : vector<16xf32>
      %get3A_80 = arith.index_cast %scan3A_67 : i32 to index
      %get3A_81 = arith.constant 32 : index
      %get3A_82 = tpu.vector_load %arg8[%get3A_80, %get3A_81] {strides = array<i32>} : memref<20x512xi32, #tpu.memory_space<vmem>>, vector<16xi32>,
      %gather3A_83 = tpu.vector_load_idx %arg6[%get3A_82] : memref<4096xf32, #tpu.memory_space<vmem>>[vector<16xi32>], vector<16xf32>,
      %add3A_84 = arith.addf %scan3A_70, %gather3A_83 : vector<16xf32>
      %get3A_85 = arith.index_cast %scan3A_67 : i32 to index
      %get3A_86 = arith.constant 48 : index
      %get3A_87 = tpu.vector_load %arg8[%get3A_85, %get3A_86] {strides = array<i32>} : memref<20x512xi32, #tpu.memory_space<vmem>>, vector<16xi32>,
      %gather3A_88 = tpu.vector_load_idx %arg6[%get3A_87] : memref<4096xf32, #tpu.memory_space<vmem>>[vector<16xi32>], vector<16xf32>,
      %add3A_89 = arith.addf %scan3A_71, %gather3A_88 : vector<16xf32>
      %get3A_90 = arith.index_cast %scan3A_67 : i32 to index
      %get3A_91 = arith.constant 64 : index
      %get3A_92 = tpu.vector_load %arg8[%get3A_90, %get3A_91] {strides = array<i32>} : memref<20x512xi32, #tpu.memory_space<vmem>>, vector<16xi32>,
      %gather3A_93 = tpu.vector_load_idx %arg6[%get3A_92] : memref<4096xf32, #tpu.memory_space<vmem>>[vector<16xi32>], vector<16xf32>,
      %add3A_94 = arith.addf %add3A_74, %gather3A_93 : vector<16xf32>
      %get3A_95 = arith.index_cast %scan3A_67 : i32 to index
      %get3A_96 = arith.constant 80 : index
      %get3A_97 = tpu.vector_load %arg8[%get3A_95, %get3A_96] {strides = array<i32>} : memref<20x512xi32, #tpu.memory_space<vmem>>, vector<16xi32>,
      %gather3A_98 = tpu.vector_load_idx %arg6[%get3A_97] : memref<4096xf32, #tpu.memory_space<vmem>>[vector<16xi32>], vector<16xf32>,
      %add3A_99 = arith.addf %add3A_79, %gather3A_98 : vector<16xf32>
      %get3A_100 = arith.index_cast %scan3A_67 : i32 to index
      %get3A_101 = arith.constant 96 : index
      %get3A_102 = tpu.vector_load %arg8[%get3A_100, %get3A_101] {strides = array<i32>} : memref<20x512xi32, #tpu.memory_space<vmem>>, vector<16xi32>,
      %gather3A_103 = tpu.vector_load_idx %arg6[%get3A_102] : memref<4096xf32, #tpu.memory_space<vmem>>[vector<16xi32>], vector<16xf32>,
      %add3A_104 = arith.addf %add3A_84, %gather3A_103 : vector<16xf32>
      %get3A_105 = arith.index_cast %scan3A_67 : i32 to index
      %get3A_106 = arith.constant 112 : index
      %get3A_107 = tpu.vector_load %arg8[%get3A_105, %get3A_106] {strides = array<i32>} : memref<20x512xi32, #tpu.memory_space<vmem>>, vector<16xi32>,
      %gather3A_108 = tpu.vector_load_idx %arg6[%get3A_107] : memref<4096xf32, #tpu.memory_space<vmem>>[vector<16xi32>], vector<16xf32>,
      %add3A_109 = arith.addf %add3A_89, %gather3A_108 : vector<16xf32>
      %get3A_110 = arith.index_cast %scan3A_67 : i32 to index
      %get3A_111 = arith.constant 128 : index
      %get3A_112 = tpu.vector_load %arg8[%get3A_110, %get3A_111] {strides = array<i32>} : memref<20x512xi32, #tpu.memory_space<vmem>>, vector<16xi32>,
      %gather3A_113 = tpu.vector_load_idx %arg6[%get3A_112] : memref<4096xf32, #tpu.memory_space<vmem>>[vector<16xi32>], vector<16xf32>,
      %add3A_114 = arith.addf %add3A_94, %gather3A_113 : vector<16xf32>
      %get3A_115 = arith.index_cast %scan3A_67 : i32 to index
      %get3A_116 = arith.constant 144 : index
      %get3A_117 = tpu.vector_load %arg8[%get3A_115, %get3A_116] {strides = array<i32>} : memref<20x512xi32, #tpu.memory_space<vmem>>, vector<16xi32>,
      %gather3A_118 = tpu.vector_load_idx %arg6[%get3A_117] : memref<4096xf32, #tpu.memory_space<vmem>>[vector<16xi32>], vector<16xf32>,
      %add3A_119 = arith.addf %add3A_99, %gather3A_118 : vector<16xf32>
      %get3A_120 = arith.index_cast %scan3A_67 : i32 to index
      %get3A_121 = arith.constant 160 : index
      %get3A_122 = tpu.vector_load %arg8[%get3A_120, %get3A_121] {strides = array<i32>} : memref<20x512xi32, #tpu.memory_space<vmem>>, vector<16xi32>,
      %gather3A_123 = tpu.vector_load_idx %arg6[%get3A_122] : memref<4096xf32, #tpu.memory_space<vmem>>[vector<16xi32>], vector<16xf32>,
      %add3A_124 = arith.addf %add3A_104, %gather3A_123 : vector<16xf32>
      %get3A_125 = arith.index_cast %scan3A_67 : i32 to index
      %get3A_126 = arith.constant 176 : index
      %get3A_127 = tpu.vector_load %arg8[%get3A_125, %get3A_126] {strides = array<i32>} : memref<20x512xi32, #tpu.memory_space<vmem>>, vector<16xi32>,
      %gather3A_128 = tpu.vector_load_idx %arg6[%get3A_127] : memref<4096xf32, #tpu.memory_space<vmem>>[vector<16xi32>], vector<16xf32>,
      %add3A_129 = arith.addf %add3A_109, %gather3A_128 : vector<16xf32>
      %get3A_130 = arith.index_cast %scan3A_67 : i32 to index
      %get3A_131 = arith.constant 192 : index
      %get3A_132 = tpu.vector_load %arg8[%get3A_130, %get3A_131] {strides = array<i32>} : memref<20x512xi32, #tpu.memory_space<vmem>>, vector<16xi32>,
      %gather3A_133 = tpu.vector_load_idx %arg6[%get3A_132] : memref<4096xf32, #tpu.memory_space<vmem>>[vector<16xi32>], vector<16xf32>,
      %add3A_134 = arith.addf %add3A_114, %gather3A_133 : vector<16xf32>
      %get3A_135 = arith.index_cast %scan3A_67 : i32 to index
      %get3A_136 = arith.constant 208 : index
      %get3A_137 = tpu.vector_load %arg8[%get3A_135, %get3A_136] {strides = array<i32>} : memref<20x512xi32, #tpu.memory_space<vmem>>, vector<16xi32>,
      %gather3A_138 = tpu.vector_load_idx %arg6[%get3A_137] : memref<4096xf32, #tpu.memory_space<vmem>>[vector<16xi32>], vector<16xf32>,
      %add3A_139 = arith.addf %add3A_119, %gather3A_138 : vector<16xf32>
      %get3A_140 = arith.index_cast %scan3A_67 : i32 to index
      %get3A_141 = arith.constant 224 : index
      %get3A_142 = tpu.vector_load %arg8[%get3A_140, %get3A_141] {strides = array<i32>} : memref<20x512xi32, #tpu.memory_space<vmem>>, vector<16xi32>,
      %gather3A_143 = tpu.vector_load_idx %arg6[%get3A_142] : memref<4096xf32, #tpu.memory_space<vmem>>[vector<16xi32>], vector<16xf32>,
      %add3A_144 = arith.addf %add3A_124, %gather3A_143 : vector<16xf32>
      %get3A_145 = arith.index_cast %scan3A_67 : i32 to index
      %get3A_146 = arith.constant 240 : index
      %get3A_147 = tpu.vector_load %arg8[%get3A_145, %get3A_146] {strides = array<i32>} : memref<20x512xi32, #tpu.memory_space<vmem>>, vector<16xi32>,
      %gather3A_148 = tpu.vector_load_idx %arg6[%get3A_147] : memref<4096xf32, #tpu.memory_space<vmem>>[vector<16xi32>], vector<16xf32>,
      %add3A_149 = arith.addf %add3A_129, %gather3A_148 : vector<16xf32>
      %get3A_150 = arith.index_cast %scan3A_67 : i32 to index
      %get3A_151 = arith.constant 256 : index
      %get3A_152 = tpu.vector_load %arg8[%get3A_150, %get3A_151] {strides = array<i32>} : memref<20x512xi32, #tpu.memory_space<vmem>>, vector<16xi32>,
      %gather3A_153 = tpu.vector_load_idx %arg6[%get3A_152] : memref<4096xf32, #tpu.memory_space<vmem>>[vector<16xi32>], vector<16xf32>,
      %add3A_154 = arith.addf %add3A_134, %gather3A_153 : vector<16xf32>
      %get3A_155 = arith.index_cast %scan3A_67 : i32 to index
      %get3A_156 = arith.constant 272 : index
      %get3A_157 = tpu.vector_load %arg8[%get3A_155, %get3A_156] {strides = array<i32>} : memref<20x512xi32, #tpu.memory_space<vmem>>, vector<16xi32>,
      %gather3A_158 = tpu.vector_load_idx %arg6[%get3A_157] : memref<4096xf32, #tpu.memory_space<vmem>>[vector<16xi32>], vector<16xf32>,
      %add3A_159 = arith.addf %add3A_139, %gather3A_158 : vector<16xf32>
      %get3A_160 = arith.index_cast %scan3A_67 : i32 to index
      %get3A_161 = arith.constant 288 : index
      %get3A_162 = tpu.vector_load %arg8[%get3A_160, %get3A_161] {strides = array<i32>} : memref<20x512xi32, #tpu.memory_space<vmem>>, vector<16xi32>,
      %gather3A_163 = tpu.vector_load_idx %arg6[%get3A_162] : memref<4096xf32, #tpu.memory_space<vmem>>[vector<16xi32>], vector<16xf32>,
      %add3A_164 = arith.addf %add3A_144, %gather3A_163 : vector<16xf32>
      %get3A_165 = arith.index_cast %scan3A_67 : i32 to index
      %get3A_166 = arith.constant 304 : index
      %get3A_167 = tpu.vector_load %arg8[%get3A_165, %get3A_166] {strides = array<i32>} : memref<20x512xi32, #tpu.memory_space<vmem>>, vector<16xi32>,
      %gather3A_168 = tpu.vector_load_idx %arg6[%get3A_167] : memref<4096xf32, #tpu.memory_space<vmem>>[vector<16xi32>], vector<16xf32>,
      %add3A_169 = arith.addf %add3A_149, %gather3A_168 : vector<16xf32>
      %get3A_170 = arith.index_cast %scan3A_67 : i32 to index
      %get3A_171 = arith.constant 320 : index
      %get3A_172 = tpu.vector_load %arg8[%get3A_170, %get3A_171] {strides = array<i32>} : memref<20x512xi32, #tpu.memory_space<vmem>>, vector<16xi32>,
      %gather3A_173 = tpu.vector_load_idx %arg6[%get3A_172] : memref<4096xf32, #tpu.memory_space<vmem>>[vector<16xi32>], vector<16xf32>,
      %add3A_174 = arith.addf %add3A_154, %gather3A_173 : vector<16xf32>
      %get3A_175 = arith.index_cast %scan3A_67 : i32 to index
      %get3A_176 = arith.constant 336 : index
      %get3A_177 = tpu.vector_load %arg8[%get3A_175, %get3A_176] {strides = array<i32>} : memref<20x512xi32, #tpu.memory_space<vmem>>, vector<16xi32>,
      %gather3A_178 = tpu.vector_load_idx %arg6[%get3A_177] : memref<4096xf32, #tpu.memory_space<vmem>>[vector<16xi32>], vector<16xf32>,
      %add3A_179 = arith.addf %add3A_159, %gather3A_178 : vector<16xf32>
      %get3A_180 = arith.index_cast %scan3A_67 : i32 to index
      %get3A_181 = arith.constant 352 : index
      %get3A_182 = tpu.vector_load %arg8[%get3A_180, %get3A_181] {strides = array<i32>} : memref<20x512xi32, #tpu.memory_space<vmem>>, vector<16xi32>,
      %gather3A_183 = tpu.vector_load_idx %arg6[%get3A_182] : memref<4096xf32, #tpu.memory_space<vmem>>[vector<16xi32>], vector<16xf32>,
      %add3A_184 = arith.addf %add3A_164, %gather3A_183 : vector<16xf32>
      %get3A_185 = arith.index_cast %scan3A_67 : i32 to index
      %get3A_186 = arith.constant 368 : index
      %get3A_187 = tpu.vector_load %arg8[%get3A_185, %get3A_186] {strides = array<i32>} : memref<20x512xi32, #tpu.memory_space<vmem>>, vector<16xi32>,
      %gather3A_188 = tpu.vector_load_idx %arg6[%get3A_187] : memref<4096xf32, #tpu.memory_space<vmem>>[vector<16xi32>], vector<16xf32>,
      %add3A_189 = arith.addf %add3A_169, %gather3A_188 : vector<16xf32>
      %get3A_190 = arith.index_cast %scan3A_67 : i32 to index
      %get3A_191 = arith.constant 384 : index
      %get3A_192 = tpu.vector_load %arg8[%get3A_190, %get3A_191] {strides = array<i32>} : memref<20x512xi32, #tpu.memory_space<vmem>>, vector<16xi32>,
      %gather3A_193 = tpu.vector_load_idx %arg6[%get3A_192] : memref<4096xf32, #tpu.memory_space<vmem>>[vector<16xi32>], vector<16xf32>,
      %add3A_194 = arith.addf %add3A_174, %gather3A_193 : vector<16xf32>
      %get3A_195 = arith.index_cast %scan3A_67 : i32 to index
      %get3A_196 = arith.constant 400 : index
      %get3A_197 = tpu.vector_load %arg8[%get3A_195, %get3A_196] {strides = array<i32>} : memref<20x512xi32, #tpu.memory_space<vmem>>, vector<16xi32>,
      %gather3A_198 = tpu.vector_load_idx %arg6[%get3A_197] : memref<4096xf32, #tpu.memory_space<vmem>>[vector<16xi32>], vector<16xf32>,
      %add3A_199 = arith.addf %add3A_179, %gather3A_198 : vector<16xf32>
      %get3A_200 = arith.index_cast %scan3A_67 : i32 to index
      %get3A_201 = arith.constant 416 : index
      %get3A_202 = tpu.vector_load %arg8[%get3A_200, %get3A_201] {strides = array<i32>} : memref<20x512xi32, #tpu.memory_space<vmem>>, vector<16xi32>,
      %gather3A_203 = tpu.vector_load_idx %arg6[%get3A_202] : memref<4096xf32, #tpu.memory_space<vmem>>[vector<16xi32>], vector<16xf32>,
      %add3A_204 = arith.addf %add3A_184, %gather3A_203 : vector<16xf32>
      %get3A_205 = arith.index_cast %scan3A_67 : i32 to index
      %get3A_206 = arith.constant 432 : index
      %get3A_207 = tpu.vector_load %arg8[%get3A_205, %get3A_206] {strides = array<i32>} : memref<20x512xi32, #tpu.memory_space<vmem>>, vector<16xi32>,
      %gather3A_208 = tpu.vector_load_idx %arg6[%get3A_207] : memref<4096xf32, #tpu.memory_space<vmem>>[vector<16xi32>], vector<16xf32>,
      %add3A_209 = arith.addf %add3A_189, %gather3A_208 : vector<16xf32>
      %get3A_210 = arith.index_cast %scan3A_67 : i32 to index
      %get3A_211 = arith.constant 448 : index
      %get3A_212 = tpu.vector_load %arg8[%get3A_210, %get3A_211] {strides = array<i32>} : memref<20x512xi32, #tpu.memory_space<vmem>>, vector<16xi32>,
      %gather3A_213 = tpu.vector_load_idx %arg6[%get3A_212] : memref<4096xf32, #tpu.memory_space<vmem>>[vector<16xi32>], vector<16xf32>,
      %add3A_214 = arith.addf %add3A_194, %gather3A_213 : vector<16xf32>
      %get3A_215 = arith.index_cast %scan3A_67 : i32 to index
      %get3A_216 = arith.constant 464 : index
      %get3A_217 = tpu.vector_load %arg8[%get3A_215, %get3A_216] {strides = array<i32>} : memref<20x512xi32, #tpu.memory_space<vmem>>, vector<16xi32>,
      %gather3A_218 = tpu.vector_load_idx %arg6[%get3A_217] : memref<4096xf32, #tpu.memory_space<vmem>>[vector<16xi32>], vector<16xf32>,
      %add3A_219 = arith.addf %add3A_199, %gather3A_218 : vector<16xf32>
      %get3A_220 = arith.index_cast %scan3A_67 : i32 to index
      %get3A_221 = arith.constant 480 : index
      %get3A_222 = tpu.vector_load %arg8[%get3A_220, %get3A_221] {strides = array<i32>} : memref<20x512xi32, #tpu.memory_space<vmem>>, vector<16xi32>,
      %gather3A_223 = tpu.vector_load_idx %arg6[%get3A_222] : memref<4096xf32, #tpu.memory_space<vmem>>[vector<16xi32>], vector<16xf32>,
      %add3A_224 = arith.addf %add3A_204, %gather3A_223 : vector<16xf32>
      %get3A_225 = arith.index_cast %scan3A_67 : i32 to index
      %get3A_226 = arith.constant 496 : index
      %get3A_227 = tpu.vector_load %arg8[%get3A_225, %get3A_226] {strides = array<i32>} : memref<20x512xi32, #tpu.memory_space<vmem>>, vector<16xi32>,
      %gather3A_228 = tpu.vector_load_idx %arg6[%get3A_227] : memref<4096xf32, #tpu.memory_space<vmem>>[vector<16xi32>], vector<16xf32>,
      %add3A_229 = arith.addf %add3A_209, %gather3A_228 : vector<16xf32>
      scf.yield %add3A_214, %add3A_219, %add3A_224, %add3A_229 : vector<16xf32>, vector<16xf32>, vector<16xf32>, vector<16xf32>
    }
    %scan3A_45 = arith.constant 20 : i32
    %dma_wait3A_46 = arith.constant 1 : i32
    %dma_wait3A_47 = arith.constant 0 : i32
    %dma_wait3A_48 = tpu.memref_slice %arg2[%dma_wait3A_46, %dma_wait3A_47] : memref<2x4096xf32, #tpu.memory_space<hbm>> -> memref<1x4096xf32, #tpu.memory_space<hbm>>
    %dma_wait3A_49 = tpu.memref_squeeze %dma_wait3A_48 : memref<1x4096xf32, #tpu.memory_space<hbm>> -> memref<4096xf32, #tpu.memory_space<hbm>>
    %dma_wait3A_50 = arith.constant 0 : i32
    %dma_wait3A_51 = tpu.memref_slice %arg2[%dma_wait3A_46, %dma_wait3A_50] : memref<2x4096xf32, #tpu.memory_space<hbm>> -> memref<1x4096xf32, #tpu.memory_space<hbm>>
    %dma_wait3A_52 = tpu.memref_squeeze %dma_wait3A_51 : memref<1x4096xf32, #tpu.memory_space<hbm>> -> memref<4096xf32, #tpu.memory_space<hbm>>
    tpu.wait_dma2 semaphore(%arg13 : memref<!tpu.dma_semaphore, #tpu.memory_space<semaphore_mem>>) src(%dma_wait3A_52 : memref<4096xf32, #tpu.memory_space<hbm>>) dst(%arg7 : memref<4096xf32, #tpu.memory_space<vmem>>)
    %dma_wait3A_53 = arith.constant 0 : i32
    %dma_wait3A_54 = tpu.memref_slice %arg4[%dma_wait3A_53, %mul3A_2] : memref<20x16384xi32, #tpu.memory_space<hbm>> -> memref<20x512xi32, #tpu.memory_space<hbm>>
    %dma_wait3A_55 = arith.constant 0 : i32
    %dma_wait3A_56 = tpu.memref_slice %arg4[%dma_wait3A_55, %mul3A_2] : memref<20x16384xi32, #tpu.memory_space<hbm>> -> memref<20x512xi32, #tpu.memory_space<hbm>>
    tpu.wait_dma2 semaphore(%arg14 : memref<!tpu.dma_semaphore, #tpu.memory_space<semaphore_mem>>) src(%dma_wait3A_56 : memref<20x512xi32, #tpu.memory_space<hbm>>) dst(%arg9 : memref<20x512xi32, #tpu.memory_space<vmem>>)
    %scan3A_57 = arith.constant 0 : i32
    %scan3A_58 = arith.constant 20 : i32
    %scan3A_59 = arith.addi %scan3A_57, %scan3A_58 : i32
    %scan3A_60 = arith.constant 1 : i32
    %scan3A_61:4 = scf.for %scan3A_67 = %scan3A_57 to %scan3A_59 step %scan3A_60 iter_args(%scan3A_68 = %scan3A_44#0, %scan3A_69 = %scan3A_44#1, %scan3A_70 = %scan3A_44#2, %scan3A_71 = %scan3A_44#3) -> (vector<16xf32>, vector<16xf32>, vector<16xf32>, vector<16xf32>)  : i32 {
      %get3A = arith.index_cast %scan3A_67 : i32 to index
      %get3A_72 = arith.constant 0 : index
      %get3A_73 = tpu.vector_load %arg9[%get3A, %get3A_72] {strides = array<i32>} : memref<20x512xi32, #tpu.memory_space<vmem>>, vector<16xi32>,
      %gather3A = tpu.vector_load_idx %arg7[%get3A_73] : memref<4096xf32, #tpu.memory_space<vmem>>[vector<16xi32>], vector<16xf32>,
      %add3A_74 = arith.addf %scan3A_68, %gather3A : vector<16xf32>
      %get3A_75 = arith.index_cast %scan3A_67 : i32 to index
      %get3A_76 = arith.constant 16 : index
      %get3A_77 = tpu.vector_load %arg9[%get3A_75, %get3A_76] {strides = array<i32>} : memref<20x512xi32, #tpu.memory_space<vmem>>, vector<16xi32>,
      %gather3A_78 = tpu.vector_load_idx %arg7[%get3A_77] : memref<4096xf32, #tpu.memory_space<vmem>>[vector<16xi32>], vector<16xf32>,
      %add3A_79 = arith.addf %scan3A_69, %gather3A_78 : vector<16xf32>
      %get3A_80 = arith.index_cast %scan3A_67 : i32 to index
      %get3A_81 = arith.constant 32 : index
      %get3A_82 = tpu.vector_load %arg9[%get3A_80, %get3A_81] {strides = array<i32>} : memref<20x512xi32, #tpu.memory_space<vmem>>, vector<16xi32>,
      %gather3A_83 = tpu.vector_load_idx %arg7[%get3A_82] : memref<4096xf32, #tpu.memory_space<vmem>>[vector<16xi32>], vector<16xf32>,
      %add3A_84 = arith.addf %scan3A_70, %gather3A_83 : vector<16xf32>
      %get3A_85 = arith.index_cast %scan3A_67 : i32 to index
      %get3A_86 = arith.constant 48 : index
      %get3A_87 = tpu.vector_load %arg9[%get3A_85, %get3A_86] {strides = array<i32>} : memref<20x512xi32, #tpu.memory_space<vmem>>, vector<16xi32>,
      %gather3A_88 = tpu.vector_load_idx %arg7[%get3A_87] : memref<4096xf32, #tpu.memory_space<vmem>>[vector<16xi32>], vector<16xf32>,
      %add3A_89 = arith.addf %scan3A_71, %gather3A_88 : vector<16xf32>
      %get3A_90 = arith.index_cast %scan3A_67 : i32 to index
      %get3A_91 = arith.constant 64 : index
      %get3A_92 = tpu.vector_load %arg9[%get3A_90, %get3A_91] {strides = array<i32>} : memref<20x512xi32, #tpu.memory_space<vmem>>, vector<16xi32>,
      %gather3A_93 = tpu.vector_load_idx %arg7[%get3A_92] : memref<4096xf32, #tpu.memory_space<vmem>>[vector<16xi32>], vector<16xf32>,
      %add3A_94 = arith.addf %add3A_74, %gather3A_93 : vector<16xf32>
      %get3A_95 = arith.index_cast %scan3A_67 : i32 to index
      %get3A_96 = arith.constant 80 : index
      %get3A_97 = tpu.vector_load %arg9[%get3A_95, %get3A_96] {strides = array<i32>} : memref<20x512xi32, #tpu.memory_space<vmem>>, vector<16xi32>,
      %gather3A_98 = tpu.vector_load_idx %arg7[%get3A_97] : memref<4096xf32, #tpu.memory_space<vmem>>[vector<16xi32>], vector<16xf32>,
      %add3A_99 = arith.addf %add3A_79, %gather3A_98 : vector<16xf32>
      %get3A_100 = arith.index_cast %scan3A_67 : i32 to index
      %get3A_101 = arith.constant 96 : index
      %get3A_102 = tpu.vector_load %arg9[%get3A_100, %get3A_101] {strides = array<i32>} : memref<20x512xi32, #tpu.memory_space<vmem>>, vector<16xi32>,
      %gather3A_103 = tpu.vector_load_idx %arg7[%get3A_102] : memref<4096xf32, #tpu.memory_space<vmem>>[vector<16xi32>], vector<16xf32>,
      %add3A_104 = arith.addf %add3A_84, %gather3A_103 : vector<16xf32>
      %get3A_105 = arith.index_cast %scan3A_67 : i32 to index
      %get3A_106 = arith.constant 112 : index
      %get3A_107 = tpu.vector_load %arg9[%get3A_105, %get3A_106] {strides = array<i32>} : memref<20x512xi32, #tpu.memory_space<vmem>>, vector<16xi32>,
      %gather3A_108 = tpu.vector_load_idx %arg7[%get3A_107] : memref<4096xf32, #tpu.memory_space<vmem>>[vector<16xi32>], vector<16xf32>,
      %add3A_109 = arith.addf %add3A_89, %gather3A_108 : vector<16xf32>
      %get3A_110 = arith.index_cast %scan3A_67 : i32 to index
      %get3A_111 = arith.constant 128 : index
      %get3A_112 = tpu.vector_load %arg9[%get3A_110, %get3A_111] {strides = array<i32>} : memref<20x512xi32, #tpu.memory_space<vmem>>, vector<16xi32>,
      %gather3A_113 = tpu.vector_load_idx %arg7[%get3A_112] : memref<4096xf32, #tpu.memory_space<vmem>>[vector<16xi32>], vector<16xf32>,
      %add3A_114 = arith.addf %add3A_94, %gather3A_113 : vector<16xf32>
      %get3A_115 = arith.index_cast %scan3A_67 : i32 to index
      %get3A_116 = arith.constant 144 : index
      %get3A_117 = tpu.vector_load %arg9[%get3A_115, %get3A_116] {strides = array<i32>} : memref<20x512xi32, #tpu.memory_space<vmem>>, vector<16xi32>,
      %gather3A_118 = tpu.vector_load_idx %arg7[%get3A_117] : memref<4096xf32, #tpu.memory_space<vmem>>[vector<16xi32>], vector<16xf32>,
      %add3A_119 = arith.addf %add3A_99, %gather3A_118 : vector<16xf32>
      %get3A_120 = arith.index_cast %scan3A_67 : i32 to index
      %get3A_121 = arith.constant 160 : index
      %get3A_122 = tpu.vector_load %arg9[%get3A_120, %get3A_121] {strides = array<i32>} : memref<20x512xi32, #tpu.memory_space<vmem>>, vector<16xi32>,
      %gather3A_123 = tpu.vector_load_idx %arg7[%get3A_122] : memref<4096xf32, #tpu.memory_space<vmem>>[vector<16xi32>], vector<16xf32>,
      %add3A_124 = arith.addf %add3A_104, %gather3A_123 : vector<16xf32>
      %get3A_125 = arith.index_cast %scan3A_67 : i32 to index
      %get3A_126 = arith.constant 176 : index
      %get3A_127 = tpu.vector_load %arg9[%get3A_125, %get3A_126] {strides = array<i32>} : memref<20x512xi32, #tpu.memory_space<vmem>>, vector<16xi32>,
      %gather3A_128 = tpu.vector_load_idx %arg7[%get3A_127] : memref<4096xf32, #tpu.memory_space<vmem>>[vector<16xi32>], vector<16xf32>,
      %add3A_129 = arith.addf %add3A_109, %gather3A_128 : vector<16xf32>
      %get3A_130 = arith.index_cast %scan3A_67 : i32 to index
      %get3A_131 = arith.constant 192 : index
      %get3A_132 = tpu.vector_load %arg9[%get3A_130, %get3A_131] {strides = array<i32>} : memref<20x512xi32, #tpu.memory_space<vmem>>, vector<16xi32>,
      %gather3A_133 = tpu.vector_load_idx %arg7[%get3A_132] : memref<4096xf32, #tpu.memory_space<vmem>>[vector<16xi32>], vector<16xf32>,
      %add3A_134 = arith.addf %add3A_114, %gather3A_133 : vector<16xf32>
      %get3A_135 = arith.index_cast %scan3A_67 : i32 to index
      %get3A_136 = arith.constant 208 : index
      %get3A_137 = tpu.vector_load %arg9[%get3A_135, %get3A_136] {strides = array<i32>} : memref<20x512xi32, #tpu.memory_space<vmem>>, vector<16xi32>,
      %gather3A_138 = tpu.vector_load_idx %arg7[%get3A_137] : memref<4096xf32, #tpu.memory_space<vmem>>[vector<16xi32>], vector<16xf32>,
      %add3A_139 = arith.addf %add3A_119, %gather3A_138 : vector<16xf32>
      %get3A_140 = arith.index_cast %scan3A_67 : i32 to index
      %get3A_141 = arith.constant 224 : index
      %get3A_142 = tpu.vector_load %arg9[%get3A_140, %get3A_141] {strides = array<i32>} : memref<20x512xi32, #tpu.memory_space<vmem>>, vector<16xi32>,
      %gather3A_143 = tpu.vector_load_idx %arg7[%get3A_142] : memref<4096xf32, #tpu.memory_space<vmem>>[vector<16xi32>], vector<16xf32>,
      %add3A_144 = arith.addf %add3A_124, %gather3A_143 : vector<16xf32>
      %get3A_145 = arith.index_cast %scan3A_67 : i32 to index
      %get3A_146 = arith.constant 240 : index
      %get3A_147 = tpu.vector_load %arg9[%get3A_145, %get3A_146] {strides = array<i32>} : memref<20x512xi32, #tpu.memory_space<vmem>>, vector<16xi32>,
      %gather3A_148 = tpu.vector_load_idx %arg7[%get3A_147] : memref<4096xf32, #tpu.memory_space<vmem>>[vector<16xi32>], vector<16xf32>,
      %add3A_149 = arith.addf %add3A_129, %gather3A_148 : vector<16xf32>
      %get3A_150 = arith.index_cast %scan3A_67 : i32 to index
      %get3A_151 = arith.constant 256 : index
      %get3A_152 = tpu.vector_load %arg9[%get3A_150, %get3A_151] {strides = array<i32>} : memref<20x512xi32, #tpu.memory_space<vmem>>, vector<16xi32>,
      %gather3A_153 = tpu.vector_load_idx %arg7[%get3A_152] : memref<4096xf32, #tpu.memory_space<vmem>>[vector<16xi32>], vector<16xf32>,
      %add3A_154 = arith.addf %add3A_134, %gather3A_153 : vector<16xf32>
      %get3A_155 = arith.index_cast %scan3A_67 : i32 to index
      %get3A_156 = arith.constant 272 : index
      %get3A_157 = tpu.vector_load %arg9[%get3A_155, %get3A_156] {strides = array<i32>} : memref<20x512xi32, #tpu.memory_space<vmem>>, vector<16xi32>,
      %gather3A_158 = tpu.vector_load_idx %arg7[%get3A_157] : memref<4096xf32, #tpu.memory_space<vmem>>[vector<16xi32>], vector<16xf32>,
      %add3A_159 = arith.addf %add3A_139, %gather3A_158 : vector<16xf32>
      %get3A_160 = arith.index_cast %scan3A_67 : i32 to index
      %get3A_161 = arith.constant 288 : index
      %get3A_162 = tpu.vector_load %arg9[%get3A_160, %get3A_161] {strides = array<i32>} : memref<20x512xi32, #tpu.memory_space<vmem>>, vector<16xi32>,
      %gather3A_163 = tpu.vector_load_idx %arg7[%get3A_162] : memref<4096xf32, #tpu.memory_space<vmem>>[vector<16xi32>], vector<16xf32>,
      %add3A_164 = arith.addf %add3A_144, %gather3A_163 : vector<16xf32>
      %get3A_165 = arith.index_cast %scan3A_67 : i32 to index
      %get3A_166 = arith.constant 304 : index
      %get3A_167 = tpu.vector_load %arg9[%get3A_165, %get3A_166] {strides = array<i32>} : memref<20x512xi32, #tpu.memory_space<vmem>>, vector<16xi32>,
      %gather3A_168 = tpu.vector_load_idx %arg7[%get3A_167] : memref<4096xf32, #tpu.memory_space<vmem>>[vector<16xi32>], vector<16xf32>,
      %add3A_169 = arith.addf %add3A_149, %gather3A_168 : vector<16xf32>
      %get3A_170 = arith.index_cast %scan3A_67 : i32 to index
      %get3A_171 = arith.constant 320 : index
      %get3A_172 = tpu.vector_load %arg9[%get3A_170, %get3A_171] {strides = array<i32>} : memref<20x512xi32, #tpu.memory_space<vmem>>, vector<16xi32>,
      %gather3A_173 = tpu.vector_load_idx %arg7[%get3A_172] : memref<4096xf32, #tpu.memory_space<vmem>>[vector<16xi32>], vector<16xf32>,
      %add3A_174 = arith.addf %add3A_154, %gather3A_173 : vector<16xf32>
      %get3A_175 = arith.index_cast %scan3A_67 : i32 to index
      %get3A_176 = arith.constant 336 : index
      %get3A_177 = tpu.vector_load %arg9[%get3A_175, %get3A_176] {strides = array<i32>} : memref<20x512xi32, #tpu.memory_space<vmem>>, vector<16xi32>,
      %gather3A_178 = tpu.vector_load_idx %arg7[%get3A_177] : memref<4096xf32, #tpu.memory_space<vmem>>[vector<16xi32>], vector<16xf32>,
      %add3A_179 = arith.addf %add3A_159, %gather3A_178 : vector<16xf32>
      %get3A_180 = arith.index_cast %scan3A_67 : i32 to index
      %get3A_181 = arith.constant 352 : index
      %get3A_182 = tpu.vector_load %arg9[%get3A_180, %get3A_181] {strides = array<i32>} : memref<20x512xi32, #tpu.memory_space<vmem>>, vector<16xi32>,
      %gather3A_183 = tpu.vector_load_idx %arg7[%get3A_182] : memref<4096xf32, #tpu.memory_space<vmem>>[vector<16xi32>], vector<16xf32>,
      %add3A_184 = arith.addf %add3A_164, %gather3A_183 : vector<16xf32>
      %get3A_185 = arith.index_cast %scan3A_67 : i32 to index
      %get3A_186 = arith.constant 368 : index
      %get3A_187 = tpu.vector_load %arg9[%get3A_185, %get3A_186] {strides = array<i32>} : memref<20x512xi32, #tpu.memory_space<vmem>>, vector<16xi32>,
      %gather3A_188 = tpu.vector_load_idx %arg7[%get3A_187] : memref<4096xf32, #tpu.memory_space<vmem>>[vector<16xi32>], vector<16xf32>,
      %add3A_189 = arith.addf %add3A_169, %gather3A_188 : vector<16xf32>
      %get3A_190 = arith.index_cast %scan3A_67 : i32 to index
      %get3A_191 = arith.constant 384 : index
      %get3A_192 = tpu.vector_load %arg9[%get3A_190, %get3A_191] {strides = array<i32>} : memref<20x512xi32, #tpu.memory_space<vmem>>, vector<16xi32>,
      %gather3A_193 = tpu.vector_load_idx %arg7[%get3A_192] : memref<4096xf32, #tpu.memory_space<vmem>>[vector<16xi32>], vector<16xf32>,
      %add3A_194 = arith.addf %add3A_174, %gather3A_193 : vector<16xf32>
      %get3A_195 = arith.index_cast %scan3A_67 : i32 to index
      %get3A_196 = arith.constant 400 : index
      %get3A_197 = tpu.vector_load %arg9[%get3A_195, %get3A_196] {strides = array<i32>} : memref<20x512xi32, #tpu.memory_space<vmem>>, vector<16xi32>,
      %gather3A_198 = tpu.vector_load_idx %arg7[%get3A_197] : memref<4096xf32, #tpu.memory_space<vmem>>[vector<16xi32>], vector<16xf32>,
      %add3A_199 = arith.addf %add3A_179, %gather3A_198 : vector<16xf32>
      %get3A_200 = arith.index_cast %scan3A_67 : i32 to index
      %get3A_201 = arith.constant 416 : index
      %get3A_202 = tpu.vector_load %arg9[%get3A_200, %get3A_201] {strides = array<i32>} : memref<20x512xi32, #tpu.memory_space<vmem>>, vector<16xi32>,
      %gather3A_203 = tpu.vector_load_idx %arg7[%get3A_202] : memref<4096xf32, #tpu.memory_space<vmem>>[vector<16xi32>], vector<16xf32>,
      %add3A_204 = arith.addf %add3A_184, %gather3A_203 : vector<16xf32>
      %get3A_205 = arith.index_cast %scan3A_67 : i32 to index
      %get3A_206 = arith.constant 432 : index
      %get3A_207 = tpu.vector_load %arg9[%get3A_205, %get3A_206] {strides = array<i32>} : memref<20x512xi32, #tpu.memory_space<vmem>>, vector<16xi32>,
      %gather3A_208 = tpu.vector_load_idx %arg7[%get3A_207] : memref<4096xf32, #tpu.memory_space<vmem>>[vector<16xi32>], vector<16xf32>,
      %add3A_209 = arith.addf %add3A_189, %gather3A_208 : vector<16xf32>
      %get3A_210 = arith.index_cast %scan3A_67 : i32 to index
      %get3A_211 = arith.constant 448 : index
      %get3A_212 = tpu.vector_load %arg9[%get3A_210, %get3A_211] {strides = array<i32>} : memref<20x512xi32, #tpu.memory_space<vmem>>, vector<16xi32>,
      %gather3A_213 = tpu.vector_load_idx %arg7[%get3A_212] : memref<4096xf32, #tpu.memory_space<vmem>>[vector<16xi32>], vector<16xf32>,
      %add3A_214 = arith.addf %add3A_194, %gather3A_213 : vector<16xf32>
      %get3A_215 = arith.index_cast %scan3A_67 : i32 to index
      %get3A_216 = arith.constant 464 : index
      %get3A_217 = tpu.vector_load %arg9[%get3A_215, %get3A_216] {strides = array<i32>} : memref<20x512xi32, #tpu.memory_space<vmem>>, vector<16xi32>,
      %gather3A_218 = tpu.vector_load_idx %arg7[%get3A_217] : memref<4096xf32, #tpu.memory_space<vmem>>[vector<16xi32>], vector<16xf32>,
      %add3A_219 = arith.addf %add3A_199, %gather3A_218 : vector<16xf32>
      %get3A_220 = arith.index_cast %scan3A_67 : i32 to index
      %get3A_221 = arith.constant 480 : index
      %get3A_222 = tpu.vector_load %arg9[%get3A_220, %get3A_221] {strides = array<i32>} : memref<20x512xi32, #tpu.memory_space<vmem>>, vector<16xi32>,
      %gather3A_223 = tpu.vector_load_idx %arg7[%get3A_222] : memref<4096xf32, #tpu.memory_space<vmem>>[vector<16xi32>], vector<16xf32>,
      %add3A_224 = arith.addf %add3A_204, %gather3A_223 : vector<16xf32>
      %get3A_225 = arith.index_cast %scan3A_67 : i32 to index
      %get3A_226 = arith.constant 496 : index
      %get3A_227 = tpu.vector_load %arg9[%get3A_225, %get3A_226] {strides = array<i32>} : memref<20x512xi32, #tpu.memory_space<vmem>>, vector<16xi32>,
      %gather3A_228 = tpu.vector_load_idx %arg7[%get3A_227] : memref<4096xf32, #tpu.memory_space<vmem>>[vector<16xi32>], vector<16xf32>,
      %add3A_229 = arith.addf %add3A_209, %gather3A_228 : vector<16xf32>
      scf.yield %add3A_214, %add3A_219, %add3A_224, %add3A_229 : vector<16xf32>, vector<16xf32>, vector<16xf32>, vector<16xf32>
    }
    %scan3A_62 = arith.constant 20 : i32
    %add3A_63 = arith.addf %scan3A_61#0, %scan3A_61#1 : vector<16xf32>
    %add3A_64 = arith.addf %scan3A_61#2, %scan3A_61#3 : vector<16xf32>
    %add3A_65 = arith.addf %add3A_63, %add3A_64 : vector<16xf32>
    %swap3A = arith.constant 0 : index
    %swap3A_66 = tpu.vector_load %arg10[%swap3A] {strides = array<i32>} : memref<16xf32, #tpu.memory_space<vmem>>, vector<16xf32>,
    tpu.vector_store %arg10[%swap3A], %add3A_65 {strides = array<i32>} : memref<16xf32, #tpu.memory_space<vmem>>, vector<16xf32>,
    "tpu.region"() ({
      %run_scoped3A = tpu.sem_alloc : memref<!tpu.dma_semaphore, #tpu.memory_space<semaphore_mem>>
      %dma_start3A_67 = arith.constant 0 : i32
      %dma_start3A_68 = tpu.memref_slice %arg5[%add3A, %dma_start3A_67] : memref<32x16xf32, #tpu.memory_space<hbm>> -> memref<1x16xf32, #tpu.memory_space<hbm>>
      %dma_start3A_69 = tpu.memref_squeeze %dma_start3A_68 : memref<1x16xf32, #tpu.memory_space<hbm>> -> memref<16xf32, #tpu.memory_space<hbm>>
      %dma_start3A_70 = arith.constant 0 : i32
      %dma_start3A_71 = tpu.memref_slice %arg5[%add3A, %dma_start3A_70] : memref<32x16xf32, #tpu.memory_space<hbm>> -> memref<1x16xf32, #tpu.memory_space<hbm>>
      %dma_start3A_72 = tpu.memref_squeeze %dma_start3A_71 : memref<1x16xf32, #tpu.memory_space<hbm>> -> memref<16xf32, #tpu.memory_space<hbm>>
      tpu.enqueue_dma source(%arg10 : memref<16xf32, #tpu.memory_space<vmem>>) target(%dma_start3A_72 : memref<16xf32, #tpu.memory_space<hbm>>) target_semaphore(%run_scoped3A : memref<!tpu.dma_semaphore, #tpu.memory_space<semaphore_mem>>)
      %dma_wait3A_73 = arith.constant 0 : i32
      %dma_wait3A_74 = tpu.memref_slice %arg5[%add3A, %dma_wait3A_73] : memref<32x16xf32, #tpu.memory_space<hbm>> -> memref<1x16xf32, #tpu.memory_space<hbm>>
      %dma_wait3A_75 = tpu.memref_squeeze %dma_wait3A_74 : memref<1x16xf32, #tpu.memory_space<hbm>> -> memref<16xf32, #tpu.memory_space<hbm>>
      %dma_wait3A_76 = arith.constant 0 : i32
      %dma_wait3A_77 = tpu.memref_slice %arg5[%add3A, %dma_wait3A_76] : memref<32x16xf32, #tpu.memory_space<hbm>> -> memref<1x16xf32, #tpu.memory_space<hbm>>
      %dma_wait3A_78 = tpu.memref_squeeze %dma_wait3A_77 : memref<1x16xf32, #tpu.memory_space<hbm>> -> memref<16xf32, #tpu.memory_space<hbm>>
      tpu.wait_dma2 semaphore(%run_scoped3A : memref<!tpu.dma_semaphore, #tpu.memory_space<semaphore_mem>>) src(%arg10 : memref<16xf32, #tpu.memory_space<vmem>>) dst(%dma_wait3A_78 : memref<16xf32, #tpu.memory_space<hbm>>)
      tpu.yield
    }) : () -> ()
    return
  }
}

module attributes {stable_mosaic.version = 14 : i64} {
  func.func @_rowsum_body(%arg0: i32, %arg1: memref<64x4096xf32, #tpu.memory_space<vmem>>, %arg2: memref<64x4096xf32, #tpu.memory_space<vmem>>, %arg3: memref<2x4096xf32, #tpu.memory_space<vmem>>) attributes {dimension_semantics = [#tpu.dimension_semantics<arbitrary>], iteration_bounds = array<i64: 1>, scalar_prefetch = 0 : i64, scratch_operands = 0 : i64, tpu.core_type = #tpu.core_type<tc>, window_params = [{transform_indices = @transform_0, window_bounds = array<i64: 64, 4096>}, {transform_indices = @transform_1, window_bounds = array<i64: 64, 4096>}, {pipeline_mode = #tpu.pipeline_mode<synchronous>, transform_indices = @transform_2, window_bounds = array<i64: 2, 4096>}]} {
    %get3A = arith.constant 0 : index
    %get3A_0 = arith.constant 0 : index
    %get3A_1 = vector.load %arg1[%get3A, %get3A_0] : memref<64x4096xf32, #tpu.memory_space<vmem>>, vector<64x4096xf32>
    %reduce_sum3A = arith.constant dense<0.000000e+00> : vector<4096xf32>
    %reduce_sum3A_2 = vector.multi_reduction <add>, %get3A_1, %reduce_sum3A [0] : vector<64x4096xf32> to vector<4096xf32>
    %swap3A = arith.constant 0 : index
    %swap3A_3 = arith.constant 0 : index
    %swap3A_4 = vector.load %arg3[%swap3A, %swap3A_3] : memref<2x4096xf32, #tpu.memory_space<vmem>>, vector<1x4096xf32>
    %swap3A_5 = vector.shape_cast %swap3A_4 : vector<1x4096xf32> to vector<4096xf32>
    %swap3A_6 = vector.shape_cast %reduce_sum3A_2 : vector<4096xf32> to vector<1x4096xf32>
    tpu.vector_store %arg3[%swap3A, %swap3A_3], %swap3A_6 {strides = array<i32>} : memref<2x4096xf32, #tpu.memory_space<vmem>>, vector<1x4096xf32>,
    %get3A_7 = arith.constant 0 : index
    %get3A_8 = arith.constant 0 : index
    %get3A_9 = vector.load %arg2[%get3A_7, %get3A_8] : memref<64x4096xf32, #tpu.memory_space<vmem>>, vector<64x4096xf32>
    %reduce_sum3A_10 = arith.constant dense<0.000000e+00> : vector<4096xf32>
    %reduce_sum3A_11 = vector.multi_reduction <add>, %get3A_9, %reduce_sum3A_10 [0] : vector<64x4096xf32> to vector<4096xf32>
    %swap3A_12 = arith.constant 1 : index
    %swap3A_13 = arith.constant 0 : index
    %swap3A_14 = vector.load %arg3[%swap3A_12, %swap3A_13] : memref<2x4096xf32, #tpu.memory_space<vmem>>, vector<1x4096xf32>
    %swap3A_15 = vector.shape_cast %swap3A_14 : vector<1x4096xf32> to vector<4096xf32>
    %swap3A_16 = vector.shape_cast %reduce_sum3A_11 : vector<4096xf32> to vector<1x4096xf32>
    tpu.vector_store %arg3[%swap3A_12, %swap3A_13], %swap3A_16 {strides = array<i32>} : memref<2x4096xf32, #tpu.memory_space<vmem>>, vector<1x4096xf32>,
    return
  }
  func.func @transform_0(%arg0: i32) -> (i32, i32) {
    %c0_i32 = arith.constant 0 : i32
    %c0_i32_0 = arith.constant 0 : i32
    %c0_i32_1 = arith.constant 0 : i32
    return %c0_i32, %c0_i32_0 : i32, i32
  }
  func.func @transform_1(%arg0: i32) -> (i32, i32) {
    %c0_i32 = arith.constant 0 : i32
    %c0_i32_0 = arith.constant 0 : i32
    %c0_i32_1 = arith.constant 0 : i32
    return %c0_i32, %c0_i32_0 : i32, i32
  }
  func.func @transform_2(%arg0: i32) -> (i32, i32) {
    %c0_i32 = arith.constant 0 : i32
    %c0_i32_0 = arith.constant 0 : i32
    %c0_i32_1 = arith.constant 0 : i32
    return %c0_i32, %c0_i32_0 : i32, i32
  }
}

</mosaic_0001>

<sc_bundles>
// kernel: kernel.4.cloned.1.call-start
scs
__scs_entry_jumppad:
0x0: {  	(pc) =	sbr.rel $0x88, $3  }
0x1: {  	(tag) =	ssettag $0x0;
	lr =	simm.s32 $0x1  }
0x2: {  	[smem:$0x3F9D] =	sst lr;
	_ =	strace $0xD0000000  }
0x3: {  	_ = 	snop  }
0x4: {  	_ = 	snop  }
0x5: {  	_ = 	snop  }
0x6: {  	_ = 	snop  }
0x7: {  	_ = 	snop  }
__scs_overlays_trampoline_lowered:
0x8: {  	[smem:$0x3FAC] =	sst s0  }
0x9: {  	[smem:$0x3FAD] =	sst s1  }
0xa: {  	[smem:$0x3FAE] =	sst s2  }
0xb: {  	[smem:$0x3FAF] =	sst s3  }
0xc: {  	[smem:$0x3FB0] =	sst s4  }
0xd: {  	[smem:$0x3FB1] =	sst s5  }
0xe: {  	[smem:$0x3FB2] =	sst s6  }
0xf: {  	[smem:$0x3FB3] =	sst s7  }
0x10: {  	[smem:$0x3FB4] =	sst s8  }
0x11: {  	[smem:$0x3FB5] =	sst s9;
	s0 =	simm.s32 @!p0 $0x0  }
0x12: {  	s1 =	sld [smem:$0x3F9B];
	s0 =	simm.s32 @p0 $0x1  }
0x13: {  	[smem:$0x3FB6] =	sst s0;
	s0 =	simm.s32 @!p1 $0x0  }
0x14: {  	s2 =	sld [smem:$0x3F9A];
	s0 =	simm.s32 @p1 $0x1  }
0x15: {  	[smem:$0x3FB7] =	sst s0;
	s0 =	simm.s32 @!p2 $0x0  }
0x16: {  	s3 =	sld [smem:$0x3FDB];
	s0 =	simm.s32 @p2 $0x1  }
0x17: {  	s4 =	simm.s32 $0x1BF5;
	[smem:$0x3FB9] =	sst s0  }
0x18: {  	s0 =	sld [smem:$0x3F9C];
	_ =	swait.ge [sflag:s4], $0x0  }
0x19: {  	s7 =	sld [smem:$0x3F9D]  }
0x1a: {  	s8 =	sadd.s32 $0xFFFFE003, lr  }
0x1b: {  	s9 =	sadd.s32 $0xFFFFFEF7, lr;
	s5 =	simm.s32 $0xFFFFFFFF;
	p2 =	slt.u32 s8, $0xFFFFF086  }
0x1c: {  	p1 =	slt.u32 s9, $0xF7A;
	s5 =	simm.s32 @!p2 $0x0  }
0x1d: {  	s5 =	simm.s32 @p1 $0x1;
	p0 =	seq.s32 s7, s2  }
0x1e: {  	s7 =	smul.u32 @!p0 $0xF7A, s2;
	p2 =	seq.s32 @!p0 s5, $0x0  }
0x1f: {  	s9 =	smul.u32 $0xF7A, s1;
	s8 =	simm.s32 @!p0 $0x1BF5;
	p2 =	por !p2, p0  }
0x20: {  	[sflag:s8] =	ssyncset.s32 @!p0 $0xFFFFF086;
	s6 =	sadd.s32 @!p0 s3, s7;
	s7 =	simm.s32 @!p0 $0x108  }
0x21: {  	s3 =	sadd.s32 s3, s9;
	s6 =	sadd.s32 @!p0 $0x88, s6;
	s7 =	simm.s32 @p2 $0x1082  }
0x22: {  	[simem:s7], [sflag:s8] =	dma.local @!p0 [hbm:s6], $0xF7A  }
0x23: {  	s9 =	sor.u32 $0xD0000000, s2;
	s6 =	simm.s32 $0x108;
	_ =	swait.ge @!p0 [sflag:s8], $0x0  }
0x24: {  	s3 =	sadd.s32 $0x88, s3;
	s6 =	simm.s32 @!p1 $0x1082;
	[sflag:s4] =	ssyncset.s32 $0xFFFFF086  }
0x25: {  	[simem:s6], [sflag:s4] =	dma.local [hbm:s3], $0xF7A  }
0x26: {  	[smem:$0x3F9D] =	sst s1;
	(tag) =	ssettag s2;
	_ =	strace s9  }
0x27: {  	s1 =	sld [smem:$0x3FAD]  }
0x28: {  	s2 =	sld [smem:$0x3FAE]  }
0x29: {  	s4 =	sld [smem:$0x3FB0]  }
0x2a: {  	p0 =	seq.s32 s5, $0x0;
	s5 =	sld [smem:$0x3FB1]  }
0x2b: {  	s6 =	sld [smem:$0x3FB2]  }
0x2c: {  	s7 =	sld [smem:$0x3FB3]  }
0x2d: {  	s3 =	simm.s32 $0x108;
	s8 =	sld [smem:$0x3FB4]  }
0x2e: {  	s3 =	simm.s32 @!p0 $0x1082;
	s9 =	sld [smem:$0x3FB5]  }
0x2f: {  	lr =	sadd.s32 s0, s3;
	s0 =	sld [smem:$0x3FAC]  }
0x30: {  	s3 =	sld [smem:$0x3FAF]  }
0x31: {  	[smem:$0x3FB8] =	sst s10  }
0x32: {  	s10 =	sld [smem:$0x3FB6];
	_ =	sdelay $0x3  }
0x33: {  	p0 =	seq.s32 s10, $0x1;
	s10 =	sld [smem:$0x3FB8];
	_ =	sdelay $0x3  }
0x34: {  	[smem:$0x3FB8] =	sst s10  }
0x35: {  	s10 =	sld [smem:$0x3FB7];
	_ =	sdelay $0x3  }
0x36: {  	p1 =	seq.s32 s10, $0x1;
	s10 =	sld [smem:$0x3FB8];
	_ =	sdelay $0x3  }
0x37: {  	[smem:$0x3FB8] =	sst s10  }
0x38: {  	s10 =	sld [smem:$0x3FB9]  }
0x39: {  	_ = 	snop;
	(pc) =	sbr.ind lr, $3  }
0x3a: {  	_ = 	snop  }
0x3b: {  	_ = 	snop  }
0x3c: {  	p2 =	seq.s32 s10, $0x1;
	s10 =	sld [smem:$0x3FB8]  }
0x3d: {  	_ =	shalt  }
0x3e: {  	_ =	shalt  }
0x3f: {  	_ =	shalt  }
0x40: {  	_ =	shalt  }
0x41: {  	_ =	shalt  }
0x42: {  	_ =	shalt  }
0x43: {  	_ =	shalt  }
0x44: {  	_ =	shalt  }
0x45: {  	_ =	shalt  }
0x46: {  	_ =	shalt  }
0x47: {  	_ =	shalt  }
0x48: {  	_ =	shalt  }
0x49: {  	_ =	shalt  }
0x4a: {  	_ =	shalt  }
0x4b: {  	_ =	shalt  }
0x4c: {  	_ =	shalt  }
0x4d: {  	_ =	shalt  }
0x4e: {  	_ =	shalt  }
0x4f: {  	_ =	shalt  }
0x50: {  	_ =	shalt  }
0x51: {  	_ =	shalt  }
0x52: {  	_ =	shalt  }
0x53: {  	_ =	shalt  }
0x54: {  	_ =	shalt  }
0x55: {  	_ =	shalt  }
0x56: {  	_ =	shalt  }
0x57: {  	_ =	shalt  }
0x58: {  	_ =	shalt  }
0x59: {  	_ =	shalt  }
0x5a: {  	_ =	shalt  }
0x5b: {  	_ =	shalt  }
0x5c: {  	_ =	shalt  }
0x5d: {  	_ =	shalt  }
0x5e: {  	_ =	shalt  }
0x5f: {  	_ =	shalt  }
0x60: {  	_ =	shalt  }
0x61: {  	_ =	shalt  }
0x62: {  	_ =	shalt  }
0x63: {  	_ =	shalt  }
0x64: {  	_ =	shalt  }
0x65: {  	_ =	shalt  }
0x66: {  	_ =	shalt  }
0x67: {  	_ =	shalt  }
0x68: {  	_ =	shalt  }
0x69: {  	_ =	shalt  }
0x6a: {  	_ =	shalt  }
0x6b: {  	_ =	shalt  }
0x6c: {  	_ =	shalt  }
0x6d: {  	_ =	shalt  }
0x6e: {  	_ =	shalt  }
0x6f: {  	_ =	shalt  }
0x70: {  	_ =	shalt  }
0x71: {  	_ =	shalt  }
0x72: {  	_ =	shalt  }
0x73: {  	_ =	shalt  }
0x74: {  	_ =	shalt  }
0x75: {  	_ =	shalt  }
0x76: {  	_ =	shalt  }
0x77: {  	_ =	shalt  }
0x78: {  	_ =	shalt  }
0x79: {  	_ =	shalt  }
0x7a: {  	_ =	shalt  }
0x7b: {  	_ =	shalt  }
0x7c: {  	_ =	shalt  }
0x7d: {  	_ =	shalt  }
0x7e: {  	_ =	shalt  }
0x7f: {  	_ =	shalt  }
0x80: {  	_ =	shalt  }
0x81: {  	_ =	shalt  }
0x82: {  	_ =	shalt  }
0x83: {  	_ =	shalt  }
0x84: {  	_ =	shalt  }
0x85: {  	_ =	shalt  }
0x86: {  	_ =	shalt  }
0x87: {  	_ =	shalt  }
.Lfunc_end0:
.L_simem_size_0:
called_computation_lowered:
.L_overlay_start_0:
0x88: {  	s2 =	sld [smem:$0x3FD9]  }
0x89: {  	s3 =	sld [smem:$0x3FFE];
	_ =	sdelay $0x1  }
0x8a: {  	s1 =	srdreg.scid  }
0x8b: {  	s0 =	sand.u32 $0x1, s1  }
0x8c: {  	s17 =	sshll.u32 s0, $0xA;
	s2 =	sadd.s32 s3, s2  }
0x8d: {  	s2 =	sadd.s32 s2, s17  }
0x8e: {  	[smem:$0x3FC4] =	sst s2  }
0x8f: {  	_ = 	snop  }
0x90: {  	s2 =	sld [smem:$0x3FC9]  }
0x91: {  	s18 =	sld [smem:$0x3FC8];
	(tm) =	ssettm $0x1  }
0x92: {  	s4 =	sld [smem:$0x3FFB];
	_ =	sdelay $0x3  }
0x93: {  	_ =	strace s4  }
0x94: {  	s4 =	sld [smem:$0x3FFC];
	_ =	sdelay $0x3  }
0x95: {  	_ =	strace s4  }
0x96: {  	s4 =	sld [smem:$0x3FFD];
	_ =	sdelay $0x3  }
0x97: {  	_ =	strace s4  }
0x98: {  	_ =	strace $0x8FFFFFFF  }
0x99: {  	s19 =	sld [smem:$0x3FDB];
	_ =	sdelay $0x1  }
0x9a: {  	s5 =	simm.s32 $_scs_section_size  }
0x9b: {  	s6 =	simm.s32 $_size__tile_overlayer_lowered;
	s7 =	simm.s32 $_tile_overlayer_lowered  }
0x9c: {  	s22 =	simm.s32 $0x1BFF;
	s21 =	sshll.u32 s7, $0x1;
	s4 =	sadd.s32 s5, s19  }
0x9d: {  	s8 =	simm.s32 $0x0;
	s20 =	sshll.u32 s6, $0x1;
	s6 =	sadd.s32 s21, s4  }
0x9e: {  	[timem:s8], [sflag:s22] =	dma.local [hbm:s6], s20  }
0x9f: {  	_ =	swait.ge [sflag:s22], s20  }
0xa0: {  	s5 =	ssub.s32 $0x0, s20;
	[sflag:s22] =	ssyncset.done $0x0  }
0xa1: {  	[sflag:s22] =	ssyncadd.s32 s5;
	_ =	sdelay $0x1  }
0xa2: {  	s23 =	simm.s32 $0x1B8B  }
0xa3: {  	_ =	swait.ge [sflag:s23], $0x1  }
0xa4: {  	[sflag:s23] =	ssyncset.done $0x0  }
0xa5: {  	s25 =	simm.s32 $0x1B8E;
	s24 =	sld [smem:$0x3FFE];
	[sflag:s23] =	ssyncadd.s32 $0xFFFFFFFF  }
0xa6: {  	s26 =	simm.s32 $execute0_lowered;
	[smem:$0x3FD2] =	sst s25  }
0xa7: {  	s6 =	sshll.u32 s26, $0x1;
	_ =	strace $0x80000046;
	[dreg:$0x1] =	wrdreg $0xFFFFFFFF  }
0xa8: {  	s28 =	simm.s32 $_size_execute0_lowered;
	s4 =	sadd.s32 s4, s6;
	[dreg:$0x0] =	wrdreg $0x0  }
0xa9: {  	s6 =	sshll.u32 s28, $0x1;
	[dreg:$0x2] =	wrdreg s4  }
0xaa: {  	[dreg:$0x3] =	wrdreg s6  }
0xab: {  	[dreg:$0x4] =	wrdreg $0xC0  }
0xac: {  	_ =	task [dreg:s8], $0x5FFFF  }
0xad: {  	[dreg:$0x1] =	wrdreg $0xFFFFFFFF  }
0xae: {  	[dreg:$0x0] =	wrdreg $0x60  }
0xaf: {  	[dreg:$0x2] =	wrdreg s24  }
0xb0: {  	[dreg:$0x3] =	wrdreg s2  }
0xb1: {  	[dreg:$0x4] =	wrdreg s18  }
0xb2: {  	[dreg:$0x5] =	wrdreg $0x9  }
0xb3: {  	_ =	task.clear_ibuf [dreg:s8], $0x6FFFF;
	_ =	strace $0x90000046  }
0xb4: {  	s29 =	simm.s32 $0x9;
	_ =	strace $0x80000048  }
0xb5: {  	_ =	swait.ge [sflag:s29], $0x1  }
0xb6: {  	[sflag:s29] =	ssyncadd.s32 $0xFFFFFFFF  }
0xb7: {  	_ =	strace $0x90000048  }
0xb8: {  	_ =	sfence  }
0xb9: {  	s30 =	sld [smem:$0x0];
	_ =	sdelay $0x2  }
0xba: {  	s31 =	sshll.u32 s1, $0xD;
	s1 =	sshrl.u32 s1, $0x2  }
0xbb: {  	s3 =	sand.u32 $0x4000, s31;
	s1 =	sadd.s32 s1, s30  }
0xbc: {  	s0 =	sor.u32 s3, s0;
	s1 =	sshll.u32 s1, $0x11  }
0xbd: {  	s0 =	sor.u32 s1, s0  }
0xbe: {  	s0 =	sadd.s32 $0x8F2B, s0  }
0xbf: {  	[sflag:s0] =	ssyncadd.remote.s32 $0x1  }
0xc0: {  	_ =	sfence.sel $0xFFFF  }
0xc1: {  	[dreg:$0x0] =	wrdreg $0xFFFFFFFF;
	(pc) =	sbr.abs _section_cstart, $3  }
0xc2: {  	[dreg:$0x1] =	wrdreg $0xFFFFFFFF  }
0xc3: {  	_ =	task.clear_ibuf [dreg:s8], $0x2FFFF;
	_ =	strace $0x9FFFFFFF  }
0xc4: {  	(tm) =	ssettm $0x7FFFFFFF  }
0xc5: {  	_ =	shalt  }
tec
execute0_lowered:
.L_overlay_start_1:
0x0: {  	(tag) =	ssettag $0x1  }
0x1: {  	s5 =	rddreg [dreg:$0x0]  }
0x2: {  	s4 =	rddreg [dreg:$0x1]  }
0x3: {  	s6 =	rddreg [dreg:$0x2]  }
0x4: {  	s0 =	rddreg [dreg:$0x3]  }
0x5: {  	s2 =	simm.s32 $0x0;
	s3 =	srdreg.scid;
	s1 =	stileid.u32  }
0x6: {  	s11 =	simm.s32 $0x1000;
	s12 =	simm.s32 $0x20000;
	s13 =	simm.s32 $0x2000  }
0x7: {  	s14 =	simm.s32 $0x5000;
	s15 =	simm.s32 $0x1;
	s16 =	simm.s32 $0x2  }
0x8: {  	s17 =	simm.s32 $0x3;
	s18 =	simm.s32 $0x4;
	s19 =	simm.s32 $0x8000  }
0x9: {  	s20 =	simm.s32 $0x5;
	s21 =	simm.s32 $0x0;
	[smem:$0x7FF] =	sst s2  }
0xa: {  	s3 =	sand.u32 $0x1, s3;
	s7 =	sshll.u32 s1, $0x1;
	_ =	strace $0x80000047  }
0xb: {  	s7 =	sor.u32 s3, s7;
	s8 =	ssub.s32 $0x2, s3;
	s3 =	sadd.s32 $0x200, s5  }
0xc: {  	s9 =	sshll.u32 s7, $0x4;
	s10 =	sshrl.u32 s8, $0x1;
	s7 =	sshll.u32 s7, $0x9  }
0xd: {  	s9 =	sadd.s32 s9, s5;
	s8 =	ssub.s32 s8, s10;
	s4 =	sadd.s32 s4, s7  }
0xe: {  	s5 =	sadd.s32 $0x210, s5;
	s6 =	sadd.s32 s6, s7;
	s10 =	simm.s32 $0x100  }
0xf: {  	s7 =	sadd.s32 $0x600, s9;
	s8 =	smax.u32 s8, $0x1;
	s9 =	simm.s32 $0x80  }
.LBB2_1:
0x10: {  	[tilespmem:s2], [sflag:$0x1] =	stream.strided.gather [hbm4b:s3+s9], $0x1000, s10, s9, $0x38;
	[tilespmem:$0x8080] =	vst v63  }
0x11: {  	_ = 	snop  }
0x12: {  	[tilespmem:s13], [sflag:$0x2] =	stream.strided.gather [hbm4b:s4+s11], $0x3000, s12, s11, $0x38;
	[tilespmem:$0x8080] =	vst v63  }
0x13: {  	_ = 	snop  }
0x14: {  	[tilespmem:s11], [sflag:$0x3] =	stream.strided.gather [hbm4b:s5+s9], $0x1000, s10, s9, $0x38;
	[tilespmem:$0x8080] =	vst v63  }
0x15: {  	_ = 	snop  }
0x16: {  	[tilespmem:s14], [sflag:$0x4] =	stream.strided.gather [hbm4b:s6+s11], $0x3000, s12, s11, $0x38;
	[tilespmem:$0x8080] =	vst v63  }
0x17: {  	_ =	swait.ge [sflag:s15], $0x1000  }
0x18: {  	[sflag:s15] =	ssyncset.done $0x0  }
0x19: {  	[sflag:s15] =	ssyncadd.s32 $0xFFFFF000  }
0x1a: {  	_ =	swait.ge [sflag:s16], $0x3000  }
0x1b: {  	s22 =	sand.u32 $0x3000, s2;
	s23 =	sand.u32 $0x380, s2;
	[sflag:s16] =	ssyncset.done $0x0  }
0x1c: {  	s22 =	sor.u32 s23, s22;
	[sflag:s16] =	ssyncadd.s32 $0xFFFFD000  }
0x1d: {  	v4 =	vld [tilespmem:s22+$0x2C40]  }
0x1e: {  	v5 =	vld [tilespmem:s22+$0x2C50]  }
0x1f: {  	v1 =	vld [tilespmem:s22+$0x2C60]  }
0x20: {  	v0 =	vld [tilespmem:s22+$0x2C70]  }
0x21: {  	v7 =	vld [tilespmem:s22+$0x2C00]  }
0x22: {  	v8 =	vld [tilespmem:s22+$0x2C10]  }
0x23: {  	v3 =	vld [tilespmem:s22+$0x2C20]  }
0x24: {  	v2 =	vld [tilespmem:s22+$0x2C30]  }
0x25: {  	v10 =	vld [tilespmem:s22+$0x2840]  }
0x26: {  	v12 =	vld [tilespmem:s22+$0x2850]  }
0x27: {  	v9 =	vld [tilespmem:s22+$0x2860]  }
0x28: {  	v6 =	vld [tilespmem:s22+$0x2870]  }
0x29: {  	v13 =	vld [tilespmem:s22+$0x2800]  }
0x2a: {  	v16 =	vld [tilespmem:s22+$0x2810]  }
0x2b: {  	v15 =	vld [tilespmem:s22+$0x2820]  }
0x2c: {  	v14 =	vld [tilespmem:s22+$0x2830]  }
0x2d: {  	v24 =	vld [tilespmem:s22+$0x2440]  }
0x2e: {  	v25 =	vld [tilespmem:s22+$0x2450]  }
0x2f: {  	v21 =	vld [tilespmem:s22+$0x2460]  }
0x30: {  	v20 =	vld [tilespmem:s22+$0x2470]  }
0x31: {  	v28 =	vld [tilespmem:s22+$0x2400]  }
0x32: {  	v29 =	vld [tilespmem:s22+$0x2410]  }
0x33: {  	v22 =	vld [tilespmem:s22+$0x2420]  }
0x34: {  	v23 =	vld [tilespmem:s22+$0x2430]  }
0x35: {  	v30 =	vld [tilespmem:s22+$0x2040]  }
0x36: {  	v31 =	vld [tilespmem:s22+$0x2050]  }
0x37: {  	v26 =	vld [tilespmem:s22+$0x2060]  }
0x38: {  	v27 =	vld [tilespmem:s22+$0x2070]  }
0x39: {  	v32 =	vld [tilespmem:s22+$0x2000]  }
0x3a: {  	v33 =	vld [tilespmem:s22+$0x2010]  }
0x3b: {  	v34 =	vld [tilespmem:s22+$0x2020]  }
0x3c: {  	v35 =	vld [tilespmem:s22+$0x2030]  }
0x3d: {  	v4 =	vld.idx.msk [tilespmem:v4+s2+$0x0], $0xffff  }
0x3e: {  	v5 =	vld.idx.msk [tilespmem:v5+s2+$0x0], $0xffff  }
0x3f: {  	v7 =	vld.idx.msk [tilespmem:v7+s2+$0x0], $0xffff  }
0x40: {  	v8 =	vld.idx.msk [tilespmem:v8+s2+$0x0], $0xffff  }
0x41: {  	v11 =	vld.idx.msk [tilespmem:v10+s2+$0x0], $0xffff  }
0x42: {  	v12 =	vld.idx.msk [tilespmem:v12+s2+$0x0], $0xffff  }
0x43: {  	v17 =	vimm.f32 $0.0e+00;
	v18 =	vld.idx.msk [tilespmem:v13+s2+$0x0], $0xffff  }
0x44: {  	s23 =	simm.s32 $0x0;
	s22 =	simm.s32 $0x200;
	v10 =	vimm.f32 $0.0e+00;
	v19 =	vld.idx.msk [tilespmem:v16+s2+$0x0], $0xffff;
	v13 =	vimm.f32 $0.0e+00;
	v16 =	vimm.f32 $0.0e+00  }
.LBB2_2:
0x45: {  	p0 =	sne.s32 s22, $0x2600;
	v24 =	vld.idx.msk [tilespmem:v24+s2+$0x0], $0xffff  }
0x46: {  	v25 =	vld.idx.msk [tilespmem:v25+s2+$0x0], $0xffff  }
0x47: {  	v28 =	vld.idx.msk [tilespmem:v28+s2+$0x0], $0xffff  }
0x48: {  	v29 =	vld.idx.msk [tilespmem:v29+s2+$0x0], $0xffff  }
0x49: {  	v30 =	vld.idx.msk [tilespmem:v30+s2+$0x0], $0xffff  }
0x4a: {  	v31 =	vld.idx.msk [tilespmem:v31+s2+$0x0], $0xffff  }
0x4b: {  	v32 =	vld.idx.msk [tilespmem:v32+s2+$0x0], $0xffff  }
0x4c: {  	v33 =	vld.idx.msk [tilespmem:v33+s2+$0x0], $0xffff  }
0x4d: {  	v34 =	vld.idx.msk [tilespmem:v34+s2+$0x0], $0xffff  }
0x4e: {  	v35 =	vld.idx.msk [tilespmem:v35+s2+$0x0], $0xffff  }
0x4f: {  	v26 =	vld.idx.msk [tilespmem:v26+s2+$0x0], $0xffff  }
0x50: {  	v27 =	vld.idx.msk [tilespmem:v27+s2+$0x0], $0xffff  }
0x51: {  	v22 =	vld.idx.msk [tilespmem:v22+s2+$0x0], $0xffff  }
0x52: {  	v23 =	vld.idx.msk [tilespmem:v23+s2+$0x0], $0xffff  }
0x53: {  	v10 =	vadd.f32 v32, v10;
	v17 =	vadd.f32 v33, v17;
	v21 =	vld.idx.msk [tilespmem:v21+s2+$0x0], $0xffff  }
0x54: {  	v13 =	vadd.f32 v34, v13;
	v16 =	vadd.f32 v35, v16;
	v20 =	vld.idx.msk [tilespmem:v20+s2+$0x0], $0xffff  }
0x55: {  	v10 =	vadd.f32 v30, v10;
	v17 =	vadd.f32 v31, v17;
	v15 =	vld.idx.msk [tilespmem:v15+s2+$0x0], $0xffff  }
0x56: {  	v13 =	vadd.f32 v26, v13;
	v16 =	vadd.f32 v27, v16;
	v14 =	vld.idx.msk [tilespmem:v14+s2+$0x0], $0xffff  }
0x57: {  	v10 =	vadd.f32 v28, v10;
	v17 =	vadd.f32 v29, v17;
	v9 =	vld.idx.msk [tilespmem:v9+s2+$0x0], $0xffff  }
0x58: {  	v13 =	vadd.f32 v22, v13;
	v16 =	vadd.f32 v23, v16;
	v6 =	vld.idx.msk [tilespmem:v6+s2+$0x0], $0xffff  }
0x59: {  	v10 =	vadd.f32 v24, v10;
	v17 =	vadd.f32 v25, v17;
	v3 =	vld.idx.msk [tilespmem:v3+s2+$0x0], $0xffff  }
0x5a: {  	s23 =	sadd.s32 $0x80, s23;
	v13 =	vadd.f32 v21, v13;
	v16 =	vadd.f32 v20, v16;
	v2 =	vld.idx.msk [tilespmem:v2+s2+$0x0], $0xffff  }
0x5b: {  	s24 =	sand.u32 $0x3000, s22;
	s25 =	sand.u32 $0x380, s23;
	v10 =	vadd.f32 v18, v10;
	v17 =	vadd.f32 v19, v17;
	v18 =	vld.idx.msk [tilespmem:v1+s2+$0x0], $0xffff  }
0x5c: {  	s24 =	sor.u32 s25, s24;
	v1 =	vadd.f32 v15, v13;
	v13 =	vadd.f32 v14, v16;
	v14 =	vld.idx.msk [tilespmem:v0+s2+$0x0], $0xffff  }
0x5d: {  	v0 =	vadd.f32 v11, v10;
	v10 =	vadd.f32 v12, v17;
	v19 =	vld [tilespmem:s24+$0x2C40]  }
0x5e: {  	v9 =	vadd.f32 v9, v1;
	v6 =	vadd.f32 v6, v13;
	v11 =	vld [tilespmem:s24+$0x2C50]  }
0x5f: {  	v7 =	vadd.f32 v7, v0;
	v8 =	vadd.f32 v8, v10;
	v1 =	vld [tilespmem:s24+$0x2C60]  }
0x60: {  	v3 =	vadd.f32 v3, v9;
	v2 =	vadd.f32 v2, v6;
	v0 =	vld [tilespmem:s24+$0x2C70]  }
0x61: {  	v10 =	vadd.f32 v4, v7;
	v17 =	vadd.f32 v5, v8;
	v12 =	vld [tilespmem:s24+$0x2C00]  }
0x62: {  	v13 =	vadd.f32 v18, v3;
	v16 =	vadd.f32 v14, v2;
	v8 =	vld [tilespmem:s24+$0x2C10]  }
0x63: {  	v3 =	vld [tilespmem:s24+$0x2C20]  }
0x64: {  	v2 =	vld [tilespmem:s24+$0x2C30]  }
0x65: {  	v18 =	vld [tilespmem:s24+$0x2840]  }
0x66: {  	v36 =	vld [tilespmem:s24+$0x2850]  }
0x67: {  	v9 =	vld [tilespmem:s24+$0x2860]  }
0x68: {  	v6 =	vld [tilespmem:s24+$0x2870]  }
0x69: {  	v37 =	vld [tilespmem:s24+$0x2800]  }
0x6a: {  	v38 =	vld [tilespmem:s24+$0x2810]  }
0x6b: {  	v15 =	vld [tilespmem:s24+$0x2820]  }
0x6c: {  	v14 =	vld [tilespmem:s24+$0x2830]  }
0x6d: {  	v24 =	vld [tilespmem:s24+$0x2440]  }
0x6e: {  	v25 =	vld [tilespmem:s24+$0x2450]  }
0x6f: {  	v21 =	vld [tilespmem:s24+$0x2460]  }
0x70: {  	v20 =	vld [tilespmem:s24+$0x2470]  }
0x71: {  	v28 =	vld [tilespmem:s24+$0x2400]  }
0x72: {  	v29 =	vld [tilespmem:s24+$0x2410]  }
0x73: {  	v22 =	vld [tilespmem:s24+$0x2420]  }
0x74: {  	v23 =	vld [tilespmem:s24+$0x2430]  }
0x75: {  	v30 =	vld [tilespmem:s24+$0x2040]  }
0x76: {  	v31 =	vld [tilespmem:s24+$0x2050]  }
0x77: {  	v26 =	vld [tilespmem:s24+$0x2060]  }
0x78: {  	v27 =	vld [tilespmem:s24+$0x2070]  }
0x79: {  	v32 =	vld [tilespmem:s24+$0x2000]  }
0x7a: {  	v33 =	vld [tilespmem:s24+$0x2010]  }
0x7b: {  	v34 =	vld [tilespmem:s24+$0x2020]  }
0x7c: {  	v35 =	vld [tilespmem:s24+$0x2030]  }
0x7d: {  	v4 =	vld.idx.msk [tilespmem:v19+s2+$0x0], $0xffff  }
0x7e: {  	v5 =	vld.idx.msk [tilespmem:v11+s2+$0x0], $0xffff  }
0x7f: {  	v7 =	vld.idx.msk [tilespmem:v12+s2+$0x0], $0xffff  }
.Ltmp0:
0x80: {  	v8 =	vld.idx.msk [tilespmem:v8+s2+$0x0], $0xffff;
	(pc) =	sbr.rel @p0 .LBB2_2-.Ltmp0, $4  }
0x81: {  	v11 =	vld.idx.msk [tilespmem:v18+s2+$0x0], $0xffff  }
0x82: {  	v12 =	vld.idx.msk [tilespmem:v36+s2+$0x0], $0xffff  }
0x83: {  	v18 =	vld.idx.msk [tilespmem:v37+s2+$0x0], $0xffff  }
0x84: {  	s22 =	sadd.s32 $0x200, s22;
	v19 =	vld.idx.msk [tilespmem:v38+s2+$0x0], $0xffff  }
0x85: {  	_ =	sdelay $0x3  }
0x86: {  	v36 =	vld.idx.msk [tilespmem:v24+s2+$0x0], $0xffff  }
0x87: {  	v37 =	vld.idx.msk [tilespmem:v25+s2+$0x0], $0xffff  }
0x88: {  	v38 =	vld.idx.msk [tilespmem:v28+s2+$0x0], $0xffff  }
0x89: {  	v39 =	vld.idx.msk [tilespmem:v29+s2+$0x0], $0xffff  }
0x8a: {  	v28 =	vld.idx.msk [tilespmem:v30+s2+$0x0], $0xffff  }
0x8b: {  	v29 =	vld.idx.msk [tilespmem:v31+s2+$0x0], $0xffff  }
0x8c: {  	v30 =	vld.idx.msk [tilespmem:v32+s2+$0x0], $0xffff  }
0x8d: {  	v31 =	vld.idx.msk [tilespmem:v33+s2+$0x0], $0xffff  }
0x8e: {  	v63 =	vld.idx.msk [tilespmem:v34+s2+$0x0], $0xffff  }
0x8f: {  	v60 =	vld.idx.msk [tilespmem:v35+s2+$0x0], $0xffff  }
0x90: {  	v61 =	vld.idx.msk [tilespmem:v26+s2+$0x0], $0xffff  }
0x91: {  	v62 =	vld.idx.msk [tilespmem:v27+s2+$0x0], $0xffff  }
0x92: {  	v40 =	vld.idx.msk [tilespmem:v22+s2+$0x0], $0xffff  }
0x93: {  	v41 =	vld.idx.msk [tilespmem:v23+s2+$0x0], $0xffff  }
0x94: {  	v42 =	vld.idx.msk [tilespmem:v21+s2+$0x0], $0xffff  }
0x95: {  	v43 =	vld.idx.msk [tilespmem:v20+s2+$0x0], $0xffff  }
0x96: {  	v44 =	vld.idx.msk [tilespmem:v15+s2+$0x0], $0xffff  }
0x97: {  	v45 =	vld.idx.msk [tilespmem:v14+s2+$0x0], $0xffff  }
0x98: {  	v46 =	vld.idx.msk [tilespmem:v9+s2+$0x0], $0xffff  }
0x99: {  	v47 =	vld.idx.msk [tilespmem:v6+s2+$0x0], $0xffff  }
0x9a: {  	v48 =	vld.idx.msk [tilespmem:v3+s2+$0x0], $0xffff  }
0x9b: {  	v49 =	vld.idx.msk [tilespmem:v2+s2+$0x0], $0xffff  }
0x9c: {  	v50 =	vld.idx.msk [tilespmem:v1+s2+$0x0], $0xffff  }
0x9d: {  	v51 =	vld.idx.msk [tilespmem:v0+s2+$0x0], $0xffff;
	_ =	swait.ge [sflag:s17], $0x1000  }
0x9e: {  	[sflag:s17] =	ssyncset.done $0x0  }
0x9f: {  	[sflag:s17] =	ssyncadd.s32 $0xFFFFF000  }
0xa0: {  	s22 =	simm.s32 $0x0;
	_ =	swait.ge [sflag:s18], $0x3000  }
0xa1: {  	s23 =	sand.u32 $0x3000, s22;
	s24 =	sand.u32 $0x380, s22;
	[sflag:s18] =	ssyncset.done $0x0  }
0xa2: {  	s23 =	sor.u32 s24, s23;
	[sflag:s18] =	ssyncadd.s32 $0xFFFFD000  }
0xa3: {  	v52 =	vld [tilespmem:s23+$0x5C40]  }
0xa4: {  	v53 =	vld [tilespmem:s23+$0x5C50]  }
0xa5: {  	v1 =	vld [tilespmem:s23+$0x5C60]  }
0xa6: {  	v0 =	vld [tilespmem:s23+$0x5C70]  }
0xa7: {  	v54 =	vld [tilespmem:s23+$0x5C00]  }
0xa8: {  	v55 =	vld [tilespmem:s23+$0x5C10]  }
0xa9: {  	v3 =	vld [tilespmem:s23+$0x5C20]  }
0xaa: {  	v2 =	vld [tilespmem:s23+$0x5C30]  }
0xab: {  	v56 =	vld [tilespmem:s23+$0x5840]  }
0xac: {  	v57 =	vld [tilespmem:s23+$0x5850]  }
0xad: {  	v9 =	vld [tilespmem:s23+$0x5860]  }
0xae: {  	v6 =	vld [tilespmem:s23+$0x5870]  }
0xaf: {  	v58 =	vld [tilespmem:s23+$0x5800]  }
0xb0: {  	v59 =	vld [tilespmem:s23+$0x5810]  }
0xb1: {  	v15 =	vld [tilespmem:s23+$0x5820]  }
0xb2: {  	v14 =	vld [tilespmem:s23+$0x5830]  }
0xb3: {  	v24 =	vld [tilespmem:s23+$0x5440]  }
0xb4: {  	v25 =	vld [tilespmem:s23+$0x5450]  }
0xb5: {  	v21 =	vld [tilespmem:s23+$0x5460]  }
0xb6: {  	v20 =	vld [tilespmem:s23+$0x5470]  }
0xb7: {  	v26 =	vld [tilespmem:s23+$0x5400]  }
0xb8: {  	v27 =	vld [tilespmem:s23+$0x5410]  }
0xb9: {  	v22 =	vld [tilespmem:s23+$0x5420]  }
0xba: {  	v23 =	vld [tilespmem:s23+$0x5430]  }
0xbb: {  	v10 =	vadd.f32 v30, v10;
	v17 =	vadd.f32 v31, v17;
	v30 =	vld [tilespmem:s23+$0x5040]  }
0xbc: {  	v13 =	vadd.f32 v63, v13;
	v16 =	vadd.f32 v60, v16;
	v31 =	vld [tilespmem:s23+$0x5050]  }
0xbd: {  	v32 =	vld [tilespmem:s23+$0x5000];
	v10 =	vadd.f32 v28, v10;
	v17 =	vadd.f32 v29, v17  }
0xbe: {  	v33 =	vld [tilespmem:s23+$0x5010];
	v13 =	vadd.f32 v61, v13;
	v16 =	vadd.f32 v62, v16  }
0xbf: {  	v34 =	vld [tilespmem:s23+$0x5020];
	v10 =	vadd.f32 v38, v10;
	v17 =	vadd.f32 v39, v17  }
0xc0: {  	v35 =	vld [tilespmem:s23+$0x5030];
	v13 =	vadd.f32 v40, v13;
	v16 =	vadd.f32 v41, v16  }
0xc1: {  	v28 =	vld [tilespmem:s23+$0x5060];
	v10 =	vadd.f32 v36, v10;
	v17 =	vadd.f32 v37, v17  }
0xc2: {  	v29 =	vld [tilespmem:s23+$0x5070];
	v13 =	vadd.f32 v42, v13;
	v16 =	vadd.f32 v43, v16  }
0xc3: {  	v18 =	vadd.f32 v18, v10;
	v17 =	vadd.f32 v19, v17;
	v10 =	vld.idx.msk [tilespmem:v52+s11+$0x0], $0xffff  }
0xc4: {  	v19 =	vadd.f32 v44, v13;
	v16 =	vadd.f32 v45, v16;
	v13 =	vld.idx.msk [tilespmem:v53+s11+$0x0], $0xffff  }
0xc5: {  	v18 =	vadd.f32 v11, v18;
	v17 =	vadd.f32 v12, v17;
	v11 =	vld.idx.msk [tilespmem:v54+s11+$0x0], $0xffff  }
0xc6: {  	v19 =	vadd.f32 v46, v19;
	v16 =	vadd.f32 v47, v16;
	v12 =	vld.idx.msk [tilespmem:v55+s11+$0x0], $0xffff  }
0xc7: {  	v18 =	vadd.f32 v7, v18;
	v17 =	vadd.f32 v8, v17;
	v7 =	vld.idx.msk [tilespmem:v56+s11+$0x0], $0xffff  }
0xc8: {  	v19 =	vadd.f32 v48, v19;
	v63 =	vadd.f32 v49, v16;
	v8 =	vld.idx.msk [tilespmem:v57+s11+$0x0], $0xffff  }
0xc9: {  	v4 =	vadd.f32 v4, v18;
	v5 =	vadd.f32 v5, v17;
	v18 =	vld.idx.msk [tilespmem:v58+s11+$0x0], $0xffff  }
0xca: {  	s23 =	simm.s32 $0x200;
	v16 =	vadd.f32 v50, v19;
	v17 =	vadd.f32 v51, v63;
	v19 =	vld.idx.msk [tilespmem:v59+s11+$0x0], $0xffff  }
.LBB2_4:
0xcb: {  	p0 =	sne.s32 s23, $0x2600;
	v24 =	vld.idx.msk [tilespmem:v24+s11+$0x0], $0xffff  }
0xcc: {  	v25 =	vld.idx.msk [tilespmem:v25+s11+$0x0], $0xffff  }
0xcd: {  	v26 =	vld.idx.msk [tilespmem:v26+s11+$0x0], $0xffff  }
0xce: {  	v27 =	vld.idx.msk [tilespmem:v27+s11+$0x0], $0xffff  }
0xcf: {  	v30 =	vld.idx.msk [tilespmem:v30+s11+$0x0], $0xffff  }
0xd0: {  	v31 =	vld.idx.msk [tilespmem:v31+s11+$0x0], $0xffff  }
0xd1: {  	v32 =	vld.idx.msk [tilespmem:v32+s11+$0x0], $0xffff  }
0xd2: {  	v33 =	vld.idx.msk [tilespmem:v33+s11+$0x0], $0xffff  }
0xd3: {  	v34 =	vld.idx.msk [tilespmem:v34+s11+$0x0], $0xffff  }
0xd4: {  	v35 =	vld.idx.msk [tilespmem:v35+s11+$0x0], $0xffff  }
0xd5: {  	v28 =	vld.idx.msk [tilespmem:v28+s11+$0x0], $0xffff  }
0xd6: {  	v29 =	vld.idx.msk [tilespmem:v29+s11+$0x0], $0xffff  }
0xd7: {  	v22 =	vld.idx.msk [tilespmem:v22+s11+$0x0], $0xffff  }
0xd8: {  	v23 =	vld.idx.msk [tilespmem:v23+s11+$0x0], $0xffff  }
0xd9: {  	v4 =	vadd.f32 v32, v4;
	v5 =	vadd.f32 v33, v5;
	v21 =	vld.idx.msk [tilespmem:v21+s11+$0x0], $0xffff  }
0xda: {  	v16 =	vadd.f32 v34, v16;
	v17 =	vadd.f32 v35, v17;
	v20 =	vld.idx.msk [tilespmem:v20+s11+$0x0], $0xffff  }
0xdb: {  	v4 =	vadd.f32 v30, v4;
	v5 =	vadd.f32 v31, v5;
	v15 =	vld.idx.msk [tilespmem:v15+s11+$0x0], $0xffff  }
0xdc: {  	v16 =	vadd.f32 v28, v16;
	v17 =	vadd.f32 v29, v17;
	v14 =	vld.idx.msk [tilespmem:v14+s11+$0x0], $0xffff  }
0xdd: {  	v4 =	vadd.f32 v26, v4;
	v5 =	vadd.f32 v27, v5;
	v9 =	vld.idx.msk [tilespmem:v9+s11+$0x0], $0xffff  }
0xde: {  	v16 =	vadd.f32 v22, v16;
	v17 =	vadd.f32 v23, v17;
	v6 =	vld.idx.msk [tilespmem:v6+s11+$0x0], $0xffff  }
0xdf: {  	v4 =	vadd.f32 v24, v4;
	v5 =	vadd.f32 v25, v5;
	v3 =	vld.idx.msk [tilespmem:v3+s11+$0x0], $0xffff  }
0xe0: {  	s22 =	sadd.s32 $0x80, s22;
	v16 =	vadd.f32 v21, v16;
	v17 =	vadd.f32 v20, v17;
	v2 =	vld.idx.msk [tilespmem:v2+s11+$0x0], $0xffff  }
0xe1: {  	s24 =	sand.u32 $0x3000, s23;
	s25 =	sand.u32 $0x380, s22;
	v4 =	vadd.f32 v18, v4;
	v5 =	vadd.f32 v19, v5;
	v18 =	vld.idx.msk [tilespmem:v1+s11+$0x0], $0xffff  }
0xe2: {  	s24 =	sor.u32 s25, s24;
	v1 =	vadd.f32 v15, v16;
	v14 =	vadd.f32 v14, v17;
	v15 =	vld.idx.msk [tilespmem:v0+s11+$0x0], $0xffff  }
0xe3: {  	v0 =	vadd.f32 v7, v4;
	v4 =	vadd.f32 v8, v5;
	v19 =	vld [tilespmem:s24+$0x5C40]  }
0xe4: {  	v5 =	vadd.f32 v9, v1;
	v6 =	vadd.f32 v6, v14;
	v7 =	vld [tilespmem:s24+$0x5C50]  }
0xe5: {  	v8 =	vadd.f32 v11, v0;
	v9 =	vadd.f32 v12, v4;
	v1 =	vld [tilespmem:s24+$0x5C60]  }
0xe6: {  	v3 =	vadd.f32 v3, v5;
	v2 =	vadd.f32 v2, v6;
	v0 =	vld [tilespmem:s24+$0x5C70]  }
0xe7: {  	v4 =	vadd.f32 v10, v8;
	v5 =	vadd.f32 v13, v9;
	v11 =	vld [tilespmem:s24+$0x5C00]  }
0xe8: {  	v16 =	vadd.f32 v18, v3;
	v17 =	vadd.f32 v15, v2;
	v8 =	vld [tilespmem:s24+$0x5C10]  }
0xe9: {  	v3 =	vld [tilespmem:s24+$0x5C20]  }
0xea: {  	v2 =	vld [tilespmem:s24+$0x5C30]  }
0xeb: {  	v18 =	vld [tilespmem:s24+$0x5840]  }
0xec: {  	v36 =	vld [tilespmem:s24+$0x5850]  }
0xed: {  	v9 =	vld [tilespmem:s24+$0x5860]  }
0xee: {  	v6 =	vld [tilespmem:s24+$0x5870]  }
0xef: {  	v37 =	vld [tilespmem:s24+$0x5800]  }
0xf0: {  	v38 =	vld [tilespmem:s24+$0x5810]  }
0xf1: {  	v15 =	vld [tilespmem:s24+$0x5820]  }
0xf2: {  	v14 =	vld [tilespmem:s24+$0x5830]  }
0xf3: {  	v24 =	vld [tilespmem:s24+$0x5440]  }
0xf4: {  	v25 =	vld [tilespmem:s24+$0x5450]  }
0xf5: {  	v21 =	vld [tilespmem:s24+$0x5460]  }
0xf6: {  	v20 =	vld [tilespmem:s24+$0x5470]  }
0xf7: {  	v26 =	vld [tilespmem:s24+$0x5400]  }
0xf8: {  	v27 =	vld [tilespmem:s24+$0x5410]  }
0xf9: {  	v22 =	vld [tilespmem:s24+$0x5420]  }
0xfa: {  	v23 =	vld [tilespmem:s24+$0x5430]  }
0xfb: {  	v30 =	vld [tilespmem:s24+$0x5040]  }
0xfc: {  	v31 =	vld [tilespmem:s24+$0x5050]  }
0xfd: {  	v28 =	vld [tilespmem:s24+$0x5060]  }
0xfe: {  	v29 =	vld [tilespmem:s24+$0x5070]  }
0xff: {  	v32 =	vld [tilespmem:s24+$0x5000]  }
0x100: {  	v33 =	vld [tilespmem:s24+$0x5010]  }
0x101: {  	v34 =	vld [tilespmem:s24+$0x5020]  }
0x102: {  	v35 =	vld [tilespmem:s24+$0x5030]  }
0x103: {  	v10 =	vld.idx.msk [tilespmem:v19+s11+$0x0], $0xffff  }
0x104: {  	v13 =	vld.idx.msk [tilespmem:v7+s11+$0x0], $0xffff  }
0x105: {  	v11 =	vld.idx.msk [tilespmem:v11+s11+$0x0], $0xffff  }
.Ltmp1:
0x106: {  	v12 =	vld.idx.msk [tilespmem:v8+s11+$0x0], $0xffff;
	(pc) =	sbr.rel @p0 .LBB2_4-.Ltmp1, $4  }
0x107: {  	v7 =	vld.idx.msk [tilespmem:v18+s11+$0x0], $0xffff  }
0x108: {  	v8 =	vld.idx.msk [tilespmem:v36+s11+$0x0], $0xffff  }
0x109: {  	v18 =	vld.idx.msk [tilespmem:v37+s11+$0x0], $0xffff  }
0x10a: {  	s23 =	sadd.s32 $0x200, s23;
	v19 =	vld.idx.msk [tilespmem:v38+s11+$0x0], $0xffff  }
0x10b: {  	_ =	sdelay $0x3  }
0x10c: {  	v24 =	vld.idx.msk [tilespmem:v24+s11+$0x0], $0xffff  }
0x10d: {  	v25 =	vld.idx.msk [tilespmem:v25+s11+$0x0], $0xffff  }
0x10e: {  	v26 =	vld.idx.msk [tilespmem:v26+s11+$0x0], $0xffff  }
0x10f: {  	v27 =	vld.idx.msk [tilespmem:v27+s11+$0x0], $0xffff  }
0x110: {  	v30 =	vld.idx.msk [tilespmem:v30+s11+$0x0], $0xffff  }
0x111: {  	v31 =	vld.idx.msk [tilespmem:v31+s11+$0x0], $0xffff  }
0x112: {  	v32 =	vld.idx.msk [tilespmem:v32+s11+$0x0], $0xffff  }
0x113: {  	v33 =	vld.idx.msk [tilespmem:v33+s11+$0x0], $0xffff  }
0x114: {  	v34 =	vld.idx.msk [tilespmem:v34+s11+$0x0], $0xffff  }
0x115: {  	v35 =	vld.idx.msk [tilespmem:v35+s11+$0x0], $0xffff  }
0x116: {  	v28 =	vld.idx.msk [tilespmem:v28+s11+$0x0], $0xffff  }
0x117: {  	v29 =	vld.idx.msk [tilespmem:v29+s11+$0x0], $0xffff  }
0x118: {  	v22 =	vld.idx.msk [tilespmem:v22+s11+$0x0], $0xffff  }
0x119: {  	v23 =	vld.idx.msk [tilespmem:v23+s11+$0x0], $0xffff;
	v4 =	vadd.f32 v32, v4;
	v5 =	vadd.f32 v33, v5  }
0x11a: {  	v21 =	vld.idx.msk [tilespmem:v21+s11+$0x0], $0xffff;
	v16 =	vadd.f32 v34, v16;
	v17 =	vadd.f32 v35, v17  }
0x11b: {  	v20 =	vld.idx.msk [tilespmem:v20+s11+$0x0], $0xffff;
	v4 =	vadd.f32 v30, v4;
	v5 =	vadd.f32 v31, v5  }
0x11c: {  	v15 =	vld.idx.msk [tilespmem:v15+s11+$0x0], $0xffff;
	v16 =	vadd.f32 v28, v16;
	v17 =	vadd.f32 v29, v17  }
0x11d: {  	v14 =	vld.idx.msk [tilespmem:v14+s11+$0x0], $0xffff;
	v4 =	vadd.f32 v26, v4;
	v5 =	vadd.f32 v27, v5  }
0x11e: {  	v9 =	vld.idx.msk [tilespmem:v9+s11+$0x0], $0xffff;
	v16 =	vadd.f32 v22, v16;
	v17 =	vadd.f32 v23, v17  }
0x11f: {  	v6 =	vld.idx.msk [tilespmem:v6+s11+$0x0], $0xffff;
	v4 =	vadd.f32 v24, v4;
	v5 =	vadd.f32 v25, v5  }
0x120: {  	v3 =	vld.idx.msk [tilespmem:v3+s11+$0x0], $0xffff;
	v16 =	vadd.f32 v21, v16;
	v17 =	vadd.f32 v20, v17  }
0x121: {  	v2 =	vld.idx.msk [tilespmem:v2+s11+$0x0], $0xffff;
	v4 =	vadd.f32 v18, v4;
	v5 =	vadd.f32 v19, v5  }
0x122: {  	v1 =	vld.idx.msk [tilespmem:v1+s11+$0x0], $0xffff;
	v15 =	vadd.f32 v15, v16;
	v14 =	vadd.f32 v14, v17  }
0x123: {  	v0 =	vld.idx.msk [tilespmem:v0+s11+$0x0], $0xffff;
	v4 =	vadd.f32 v7, v4;
	v5 =	vadd.f32 v8, v5  }
0x124: {  	v62 =	vadd.f32 v9, v15;
	v6 =	vadd.f32 v6, v14  }
0x125: {  	v4 =	vadd.f32 v11, v4;
	v5 =	vadd.f32 v12, v5  }
0x126: {  	v3 =	vadd.f32 v3, v62;
	v2 =	vadd.f32 v2, v6  }
0x127: {  	v4 =	vadd.f32 v10, v4;
	v5 =	vadd.f32 v13, v5  }
0x128: {  	v1 =	vadd.f32 v1, v3;
	v0 =	vadd.f32 v0, v2;
	_ =	sdelay $0x1  }
0x129: {  	v63 =	vadd.f32 v5, v4;
	v0 =	vadd.f32 v0, v1;
	_ =	sdelay $0x1  }
0x12a: {  	s21 =	sadd.s32 $0x1, s21;
	v0 =	vadd.f32 v0, v63  }
0x12b: {  	p0 =	sne.s32 s21, s8  }
.Ltmp2:
0x12c: {  	[tilespmem:$0x8000] =	vst v0;
	(pc) =	sbr.rel @p0 .LBB2_1-.Ltmp2, $4  }
0x12d: {  	[hbm4b:s7+s2] =	stream.linear.scatter [tilespmem:s19], [sflag:$0x5], $0x80, $0x38;
	[tilespmem:$0x8080] =	vst v63  }
0x12e: {  	_ =	swait.ge [sflag:s20], $0x80  }
0x12f: {  	[sflag:s20] =	ssyncset.done $0x0  }
0x130: {  	[sflag:s20] =	ssyncadd.s32 $0xFFFFFF80  }
0x131: {  	_ =	sfence.sel $0x180000  }
0x132: {  	[bflag:$0x0] =	sbarrier.arrive $0xFFFF  }
0x133: {  	p0 =	sne.s32 s1, $0x0;
	_ =	strace $0x90000047  }
0x134: {  	s0 =	sadd.s32 @!p0 $0x100000, s0;
	[bflag:$0x2] =	sbarrier.arrive $0xFFFF  }
0x135: {  	[sflag:s0] =	ssyncadd.tile.s32 @!p0 $0x1;
	_ =	shalt  }
.Lfunc_end2:
_tile_overlayer_lowered:
.L_overlay_start_2:
0x136: {  	(tag) =	ssettag $0x2  }
0x137: {  	s0 =	rddreg [dreg:$0x0];
	s2 =	stileid.u32  }
0x138: {  	s1 =	rddreg [dreg:$0x1];
	p0 =	sne.s32 s2, $0x0  }
0x139: {  	s3 =	rddreg [dreg:$0x2];
	[bflag:$0x3] =	sbarrier.arrive $0xFFFF;
	s2 =	simm.s32 @!p0 $0x1C05  }
0x13a: {  	[timem:s3], [sflag:s2] =	dma.local @!p0 [hbm:s0], s1  }
0x13b: {  	s0 =	simm.s32 @!p0 $0x5  }
0x13c: {  	_ =	swait.ge @!p0 [sflag:s0], s1  }
0x13d: {  	s1 =	ssub.s32 @!p0 $0x0, s1;
	[sflag:s0] =	ssyncset.done @!p0 $0x0  }
0x13e: {  	[sflag:s0] =	ssyncadd.s32 @!p0 s1  }
0x13f: {  	[bflag:$0x3] =	sbarrier.arrive $0xFFFF  }
0x140: {  	_ =	shalt  }

</sc_bundles>
